<compile_context>
chip_gen: v7x
topology: tpu7x:2x2x1
jax: 0.10.2.dev20260603
libtpu: 0.0.44.dev20260713+nightly
codegen_flags: <defaults>
</compile_context>

<pallas_src>
import functools

import jax
import jax.numpy as jnp
from jax import lax
from jax.experimental import pallas as pl
from jax.experimental.pallas import tpu as pltpu
from jax.experimental.pallas import tpu_sc as plsc

D = 128
NC = 2
NS = 16
NW = NC * NS
RING = 5
SP_ROWS = 7936


@functools.lru_cache(maxsize=None)
def _make_kernel(B, V):
    n = B // (NW * 128)
    assert B % (NW * 128) == 0 and n % RING == 0 and n // RING >= 3
    assert V == 8192
    n_outer = n // RING
    hot_rows = V - SP_ROWS

    mesh = plsc.VectorSubcoreMesh(core_axis_name="c", subcore_axis_name="s")

    @functools.partial(
        pl.kernel,
        out_type=jax.ShapeDtypeStruct((B, D), jnp.float32),
        mesh=mesh,
        scratch_types=(
            [pltpu.VMEM((1, 128), jnp.int32) for _ in range(RING)]
            + [pltpu.VMEM((128, D), jnp.float32) for _ in range(RING)]
            + [pltpu.SemaphoreType.DMA for _ in range(3 * RING)]
        ),
    )
    def gather_kernel(ids_hbm, pe_hbm, out_hbm, *scratch):
        idx = scratch[0:RING]
        rows = scratch[RING:2 * RING]
        isem = scratch[2 * RING:3 * RING]
        gsem = scratch[3 * RING:4 * RING]
        osem = scratch[4 * RING:5 * RING]

        sid = lax.axis_index("s")
        wid = sid * NC + lax.axis_index("c")
        row_base = wid * n
        lanes = lax.iota(jnp.int32, 16)

        def fl(g, b):
            pltpu.make_async_copy(
                ids_hbm.at[pl.ds(row_base + g, 1)], idx[b], isem[b]).start()

        def wi(b):
            pltpu.make_async_copy(
                ids_hbm.at[pl.ds(0, 1)], idx[b], isem[b]).wait()

        def fg(b):
            pltpu.make_async_copy(
                pe_hbm.at[idx[b].at[0]], rows[b], gsem[b]).start()

        def wg(b):
            pltpu.make_async_copy(
                pe_hbm.at[pl.ds(0, 128)], rows[b], gsem[b]).wait()

        def fs(g, b):
            pltpu.make_async_copy(
                rows[b],
                out_hbm.at[pl.ds((row_base + g) * 128, 128)],
                osem[b]).start()

        def ws(b):
            pltpu.make_async_copy(
                rows[b], out_hbm.at[pl.ds(0, 128)], osem[b]).wait()

        def prep(b):
            wi(b); fg(b)

        for b in range(RING):
            fl(b, b)
        prep(0)
        prep(1)

        def step(g, b, with_prev=True, with_fl=True, with_ws=True,
                 with_next=True):
            wg(b)
            if with_prev:
                p = (b + RING - 1) % RING
                fs(g - 1, p)
                if with_fl:
                    fl(g + 4, p)
            if with_ws:
                ws((b + 2) % RING)
            if with_next:
                q = (b + 2) % RING
                wi(q); fg(q)

        step(0, 0, with_prev=False, with_ws=False)
        step(1, 1, with_ws=False)
        step(2, 2, with_ws=False)
        step(3, 3)
        step(4, 4)

        def body(i, carry):
            base = i * RING
            for u in range(RING):
                step(base + u, u)
            return carry

        lax.fori_loop(1, n_outer - 1, body, 0)

        g0 = n - RING
        step(g0 + 0, 0)
        step(g0 + 1, 1, with_fl=False)
        step(g0 + 2, 2, with_fl=False)
        step(g0 + 3, 3, with_fl=False, with_next=False)
        step(g0 + 4, 4, with_fl=False, with_next=False)
        fs(n - 1, 4)
        ws(2); ws(3); ws(4)

    return gather_kernel


@jax.jit
def kernel(ids, pe):
    b, h = ids.shape
    B = b * h
    out = _make_kernel(B, pe.shape[0])(ids.reshape(B // 128, 128), pe)
    return out.reshape(b, h, D)

# --- scband reference (transcript-rebuilt; emitter-appended) ---
"""Pipeline reference for scband-positional-encoding-89687507076052 (READ-ONLY COPY).

The authoritative reference and input builder live on the scoring server;
editing this copy changes nothing except your own understanding.
"""

import math
import jax, jax.numpy as jnp
import numpy as np

MAX_LEN = 8192
TIME_DIM = 128
BATCH = 16384
HIST = 200


def _build_pe():
    position = np.arange(0, MAX_LEN, dtype=np.float32)[:, None]
    div_term = np.exp(np.arange(0, TIME_DIM, 2).astype(np.float32) * (-math.log(10000.0) / TIME_DIM))
    pe = np.zeros((MAX_LEN, TIME_DIM), dtype=np.float32)
    pe[:, 0::2] = np.sin(position * div_term)
    pe[:, 1::2] = np.cos(position * div_term)
    return jnp.asarray(pe)


def setup_inputs(seed: int = 0) -> dict:
    key = jax.random.key(seed)
    ids = jax.random.randint(key, (BATCH, HIST), 0, MAX_LEN, dtype=jnp.int32)
    pe = _build_pe()
    return {"ids": ids, "pe": pe}


def reference(ids, pe):
    # PositionalEncoding.forward: return self.pe[ids, :]
    return jnp.take(pe, ids, axis=0)

if __name__ == "__main__":
    import jax
    _d = setup_inputs()
    print(jax.jit(kernel)(*tuple(_d.values())))

</pallas_src>

<mosaic_0001>
#map = affine_map<(d0, d1) -> (0, 0)>
module attributes {stable_mosaic.version = 14 : i64} {
  func.func @gather_kernel(%arg0: i32, %arg1: i32, %arg2: memref<25600x128xi32, #tpu.memory_space<hbm>>, %arg3: memref<8192x128xf32, #tpu.memory_space<hbm>>, %arg4: memref<3276800x128xf32, #tpu.memory_space<hbm>>, %arg5: memref<1x128xi32, #tpu.memory_space<vmem>>, %arg6: memref<1x128xi32, #tpu.memory_space<vmem>>, %arg7: memref<1x128xi32, #tpu.memory_space<vmem>>, %arg8: memref<1x128xi32, #tpu.memory_space<vmem>>, %arg9: memref<1x128xi32, #tpu.memory_space<vmem>>, %arg10: memref<128x128xf32, #tpu.memory_space<vmem>>, %arg11: memref<128x128xf32, #tpu.memory_space<vmem>>, %arg12: memref<128x128xf32, #tpu.memory_space<vmem>>, %arg13: memref<128x128xf32, #tpu.memory_space<vmem>>, %arg14: memref<128x128xf32, #tpu.memory_space<vmem>>, %arg15: memref<!tpu.dma_semaphore, #tpu.memory_space<semaphore_mem>>, %arg16: memref<!tpu.dma_semaphore, #tpu.memory_space<semaphore_mem>>, %arg17: memref<!tpu.dma_semaphore, #tpu.memory_space<semaphore_mem>>, %arg18: memref<!tpu.dma_semaphore, #tpu.memory_space<semaphore_mem>>, %arg19: memref<!tpu.dma_semaphore, #tpu.memory_space<semaphore_mem>>, %arg20: memref<!tpu.dma_semaphore, #tpu.memory_space<semaphore_mem>>, %arg21: memref<!tpu.dma_semaphore, #tpu.memory_space<semaphore_mem>>, %arg22: memref<!tpu.dma_semaphore, #tpu.memory_space<semaphore_mem>>, %arg23: memref<!tpu.dma_semaphore, #tpu.memory_space<semaphore_mem>>, %arg24: memref<!tpu.dma_semaphore, #tpu.memory_space<semaphore_mem>>, %arg25: memref<!tpu.dma_semaphore, #tpu.memory_space<semaphore_mem>>, %arg26: memref<!tpu.dma_semaphore, #tpu.memory_space<semaphore_mem>>, %arg27: memref<!tpu.dma_semaphore, #tpu.memory_space<semaphore_mem>>, %arg28: memref<!tpu.dma_semaphore, #tpu.memory_space<semaphore_mem>>, %arg29: memref<!tpu.dma_semaphore, #tpu.memory_space<semaphore_mem>>) attributes {dimension_semantics = [#tpu.dimension_semantics<core_parallel>, #tpu.dimension_semantics<subcore_parallel>], iteration_bounds = array<i64: 2, 16>, scalar_prefetch = 0 : i64, scratch_operands = 25 : i64, tpu.core_type = #tpu.core_type<sc_vector_subcore>, window_params = [{transform_indices = #map}, {transform_indices = #map}, {transform_indices = #map}]} {
    %mul3A = arith.constant 2 : i32
    %mul3A_0 = arith.muli %arg1, %mul3A : i32
    %add3A = arith.addi %mul3A_0, %arg0 : i32
    %mul3A_1 = arith.constant 800 : i32
    %mul3A_2 = arith.muli %add3A, %mul3A_1 : i32
    %iota3A = tpu.iota {dimensions = array<i32: 0>} : vector<16xi32>
    %add3A_3 = arith.constant 0 : i32
    %add3A_4 = arith.addi %mul3A_2, %add3A_3 : i32
    %dma_start3A = arith.constant 0 : i32
    %dma_start3A_5 = tpu.memref_slice %arg2[%add3A_4, %dma_start3A] : memref<25600x128xi32, #tpu.memory_space<hbm>> -> memref<1x128xi32, #tpu.memory_space<hbm>>
    %dma_start3A_6 = arith.constant 0 : i32
    %dma_start3A_7 = tpu.memref_slice %arg2[%add3A_4, %dma_start3A_6] : memref<25600x128xi32, #tpu.memory_space<hbm>> -> memref<1x128xi32, #tpu.memory_space<hbm>>
    tpu.enqueue_dma source(%dma_start3A_7 : memref<1x128xi32, #tpu.memory_space<hbm>>) target(%arg5 : memref<1x128xi32, #tpu.memory_space<vmem>>) target_semaphore(%arg15 : memref<!tpu.dma_semaphore, #tpu.memory_space<semaphore_mem>>)
    %add3A_8 = arith.constant 1 : i32
    %add3A_9 = arith.addi %mul3A_2, %add3A_8 : i32
    %dma_start3A_10 = arith.constant 0 : i32
    %dma_start3A_11 = tpu.memref_slice %arg2[%add3A_9, %dma_start3A_10] : memref<25600x128xi32, #tpu.memory_space<hbm>> -> memref<1x128xi32, #tpu.memory_space<hbm>>
    %dma_start3A_12 = arith.constant 0 : i32
    %dma_start3A_13 = tpu.memref_slice %arg2[%add3A_9, %dma_start3A_12] : memref<25600x128xi32, #tpu.memory_space<hbm>> -> memref<1x128xi32, #tpu.memory_space<hbm>>
    tpu.enqueue_dma source(%dma_start3A_13 : memref<1x128xi32, #tpu.memory_space<hbm>>) target(%arg6 : memref<1x128xi32, #tpu.memory_space<vmem>>) target_semaphore(%arg16 : memref<!tpu.dma_semaphore, #tpu.memory_space<semaphore_mem>>)
    %add3A_14 = arith.constant 2 : i32
    %add3A_15 = arith.addi %mul3A_2, %add3A_14 : i32
    %dma_start3A_16 = arith.constant 0 : i32
    %dma_start3A_17 = tpu.memref_slice %arg2[%add3A_15, %dma_start3A_16] : memref<25600x128xi32, #tpu.memory_space<hbm>> -> memref<1x128xi32, #tpu.memory_space<hbm>>
    %dma_start3A_18 = arith.constant 0 : i32
    %dma_start3A_19 = tpu.memref_slice %arg2[%add3A_15, %dma_start3A_18] : memref<25600x128xi32, #tpu.memory_space<hbm>> -> memref<1x128xi32, #tpu.memory_space<hbm>>
    tpu.enqueue_dma source(%dma_start3A_19 : memref<1x128xi32, #tpu.memory_space<hbm>>) target(%arg7 : memref<1x128xi32, #tpu.memory_space<vmem>>) target_semaphore(%arg17 : memref<!tpu.dma_semaphore, #tpu.memory_space<semaphore_mem>>)
    %add3A_20 = arith.constant 3 : i32
    %add3A_21 = arith.addi %mul3A_2, %add3A_20 : i32
    %dma_start3A_22 = arith.constant 0 : i32
    %dma_start3A_23 = tpu.memref_slice %arg2[%add3A_21, %dma_start3A_22] : memref<25600x128xi32, #tpu.memory_space<hbm>> -> memref<1x128xi32, #tpu.memory_space<hbm>>
    %dma_start3A_24 = arith.constant 0 : i32
    %dma_start3A_25 = tpu.memref_slice %arg2[%add3A_21, %dma_start3A_24] : memref<25600x128xi32, #tpu.memory_space<hbm>> -> memref<1x128xi32, #tpu.memory_space<hbm>>
    tpu.enqueue_dma source(%dma_start3A_25 : memref<1x128xi32, #tpu.memory_space<hbm>>) target(%arg8 : memref<1x128xi32, #tpu.memory_space<vmem>>) target_semaphore(%arg18 : memref<!tpu.dma_semaphore, #tpu.memory_space<semaphore_mem>>)
    %add3A_26 = arith.constant 4 : i32
    %add3A_27 = arith.addi %mul3A_2, %add3A_26 : i32
    %dma_start3A_28 = arith.constant 0 : i32
    %dma_start3A_29 = tpu.memref_slice %arg2[%add3A_27, %dma_start3A_28] : memref<25600x128xi32, #tpu.memory_space<hbm>> -> memref<1x128xi32, #tpu.memory_space<hbm>>
    %dma_start3A_30 = arith.constant 0 : i32
    %dma_start3A_31 = tpu.memref_slice %arg2[%add3A_27, %dma_start3A_30] : memref<25600x128xi32, #tpu.memory_space<hbm>> -> memref<1x128xi32, #tpu.memory_space<hbm>>
    tpu.enqueue_dma source(%dma_start3A_31 : memref<1x128xi32, #tpu.memory_space<hbm>>) target(%arg9 : memref<1x128xi32, #tpu.memory_space<vmem>>) target_semaphore(%arg19 : memref<!tpu.dma_semaphore, #tpu.memory_space<semaphore_mem>>)
    %dma_wait3A = arith.constant 0 : i32
    %dma_wait3A_32 = arith.constant 0 : i32
    %dma_wait3A_33 = tpu.memref_slice %arg2[%dma_wait3A, %dma_wait3A_32] : memref<25600x128xi32, #tpu.memory_space<hbm>> -> memref<1x128xi32, #tpu.memory_space<hbm>>
    %dma_wait3A_34 = arith.constant 0 : i32
    %dma_wait3A_35 = arith.constant 0 : i32
    %dma_wait3A_36 = tpu.memref_slice %arg2[%dma_wait3A_34, %dma_wait3A_35] : memref<25600x128xi32, #tpu.memory_space<hbm>> -> memref<1x128xi32, #tpu.memory_space<hbm>>
    tpu.wait_dma2 semaphore(%arg15 : memref<!tpu.dma_semaphore, #tpu.memory_space<semaphore_mem>>) src(%dma_wait3A_36 : memref<1x128xi32, #tpu.memory_space<hbm>>) dst(%arg5 : memref<1x128xi32, #tpu.memory_space<vmem>>)
    %dma_start3A_37 = arith.constant 0 : i32
    %dma_start3A_38 = arith.constant 0 : i32
    %dma_start3A_39 = tpu.memref_slice %arg5[%dma_start3A_37, %dma_start3A_38] : memref<1x128xi32, #tpu.memory_space<vmem>> -> memref<1x128xi32, #tpu.memory_space<vmem>>
    %dma_start3A_40 = tpu.memref_squeeze %dma_start3A_39 : memref<1x128xi32, #tpu.memory_space<vmem>> -> memref<128xi32, #tpu.memory_space<vmem>>
    %dma_start3A_41 = arith.constant 0 : i32
    %dma_start3A_42 = arith.constant 0 : i32
    %dma_start3A_43 = tpu.memref_slice %arg3[%dma_start3A_41, %dma_start3A_42] : memref<8192x128xf32, #tpu.memory_space<hbm>> -> memref<8192x128xf32, #tpu.memory_space<hbm>>
    tpu.enqueue_indirect_dma source(%dma_start3A_43 : memref<8192x128xf32, #tpu.memory_space<hbm>>) target(%arg10 : memref<128x128xf32, #tpu.memory_space<vmem>>) offsets(%dma_start3A_40 : memref<128xi32, #tpu.memory_space<vmem>>) semaphore(%arg20 : memref<!tpu.dma_semaphore, #tpu.memory_space<semaphore_mem>>)
    %dma_wait3A_44 = arith.constant 0 : i32
    %dma_wait3A_45 = arith.constant 0 : i32
    %dma_wait3A_46 = tpu.memref_slice %arg2[%dma_wait3A_44, %dma_wait3A_45] : memref<25600x128xi32, #tpu.memory_space<hbm>> -> memref<1x128xi32, #tpu.memory_space<hbm>>
    %dma_wait3A_47 = arith.constant 0 : i32
    %dma_wait3A_48 = arith.constant 0 : i32
    %dma_wait3A_49 = tpu.memref_slice %arg2[%dma_wait3A_47, %dma_wait3A_48] : memref<25600x128xi32, #tpu.memory_space<hbm>> -> memref<1x128xi32, #tpu.memory_space<hbm>>
    tpu.wait_dma2 semaphore(%arg16 : memref<!tpu.dma_semaphore, #tpu.memory_space<semaphore_mem>>) src(%dma_wait3A_49 : memref<1x128xi32, #tpu.memory_space<hbm>>) dst(%arg6 : memref<1x128xi32, #tpu.memory_space<vmem>>)
    %dma_start3A_50 = arith.constant 0 : i32
    %dma_start3A_51 = arith.constant 0 : i32
    %dma_start3A_52 = tpu.memref_slice %arg6[%dma_start3A_50, %dma_start3A_51] : memref<1x128xi32, #tpu.memory_space<vmem>> -> memref<1x128xi32, #tpu.memory_space<vmem>>
    %dma_start3A_53 = tpu.memref_squeeze %dma_start3A_52 : memref<1x128xi32, #tpu.memory_space<vmem>> -> memref<128xi32, #tpu.memory_space<vmem>>
    %dma_start3A_54 = arith.constant 0 : i32
    %dma_start3A_55 = arith.constant 0 : i32
    %dma_start3A_56 = tpu.memref_slice %arg3[%dma_start3A_54, %dma_start3A_55] : memref<8192x128xf32, #tpu.memory_space<hbm>> -> memref<8192x128xf32, #tpu.memory_space<hbm>>
    tpu.enqueue_indirect_dma source(%dma_start3A_56 : memref<8192x128xf32, #tpu.memory_space<hbm>>) target(%arg11 : memref<128x128xf32, #tpu.memory_space<vmem>>) offsets(%dma_start3A_53 : memref<128xi32, #tpu.memory_space<vmem>>) semaphore(%arg21 : memref<!tpu.dma_semaphore, #tpu.memory_space<semaphore_mem>>)
    %dma_wait3A_57 = arith.constant 0 : i32
    %dma_wait3A_58 = arith.constant 0 : i32
    %dma_wait3A_59 = tpu.memref_slice %arg3[%dma_wait3A_57, %dma_wait3A_58] : memref<8192x128xf32, #tpu.memory_space<hbm>> -> memref<128x128xf32, #tpu.memory_space<hbm>>
    %dma_wait3A_60 = arith.constant 0 : i32
    %dma_wait3A_61 = arith.constant 0 : i32
    %dma_wait3A_62 = tpu.memref_slice %arg3[%dma_wait3A_60, %dma_wait3A_61] : memref<8192x128xf32, #tpu.memory_space<hbm>> -> memref<128x128xf32, #tpu.memory_space<hbm>>
    tpu.wait_dma2 semaphore(%arg20 : memref<!tpu.dma_semaphore, #tpu.memory_space<semaphore_mem>>) src(%dma_wait3A_62 : memref<128x128xf32, #tpu.memory_space<hbm>>) dst(%arg10 : memref<128x128xf32, #tpu.memory_space<vmem>>)
    %dma_wait3A_63 = arith.constant 0 : i32
    %dma_wait3A_64 = arith.constant 0 : i32
    %dma_wait3A_65 = tpu.memref_slice %arg2[%dma_wait3A_63, %dma_wait3A_64] : memref<25600x128xi32, #tpu.memory_space<hbm>> -> memref<1x128xi32, #tpu.memory_space<hbm>>
    %dma_wait3A_66 = arith.constant 0 : i32
    %dma_wait3A_67 = arith.constant 0 : i32
    %dma_wait3A_68 = tpu.memref_slice %arg2[%dma_wait3A_66, %dma_wait3A_67] : memref<25600x128xi32, #tpu.memory_space<hbm>> -> memref<1x128xi32, #tpu.memory_space<hbm>>
    tpu.wait_dma2 semaphore(%arg17 : memref<!tpu.dma_semaphore, #tpu.memory_space<semaphore_mem>>) src(%dma_wait3A_68 : memref<1x128xi32, #tpu.memory_space<hbm>>) dst(%arg7 : memref<1x128xi32, #tpu.memory_space<vmem>>)
    %dma_start3A_69 = arith.constant 0 : i32
    %dma_start3A_70 = arith.constant 0 : i32
    %dma_start3A_71 = tpu.memref_slice %arg7[%dma_start3A_69, %dma_start3A_70] : memref<1x128xi32, #tpu.memory_space<vmem>> -> memref<1x128xi32, #tpu.memory_space<vmem>>
    %dma_start3A_72 = tpu.memref_squeeze %dma_start3A_71 : memref<1x128xi32, #tpu.memory_space<vmem>> -> memref<128xi32, #tpu.memory_space<vmem>>
    %dma_start3A_73 = arith.constant 0 : i32
    %dma_start3A_74 = arith.constant 0 : i32
    %dma_start3A_75 = tpu.memref_slice %arg3[%dma_start3A_73, %dma_start3A_74] : memref<8192x128xf32, #tpu.memory_space<hbm>> -> memref<8192x128xf32, #tpu.memory_space<hbm>>
    tpu.enqueue_indirect_dma source(%dma_start3A_75 : memref<8192x128xf32, #tpu.memory_space<hbm>>) target(%arg12 : memref<128x128xf32, #tpu.memory_space<vmem>>) offsets(%dma_start3A_72 : memref<128xi32, #tpu.memory_space<vmem>>) semaphore(%arg22 : memref<!tpu.dma_semaphore, #tpu.memory_space<semaphore_mem>>)
    %dma_wait3A_76 = arith.constant 0 : i32
    %dma_wait3A_77 = arith.constant 0 : i32
    %dma_wait3A_78 = tpu.memref_slice %arg3[%dma_wait3A_76, %dma_wait3A_77] : memref<8192x128xf32, #tpu.memory_space<hbm>> -> memref<128x128xf32, #tpu.memory_space<hbm>>
    %dma_wait3A_79 = arith.constant 0 : i32
    %dma_wait3A_80 = arith.constant 0 : i32
    %dma_wait3A_81 = tpu.memref_slice %arg3[%dma_wait3A_79, %dma_wait3A_80] : memref<8192x128xf32, #tpu.memory_space<hbm>> -> memref<128x128xf32, #tpu.memory_space<hbm>>
    tpu.wait_dma2 semaphore(%arg21 : memref<!tpu.dma_semaphore, #tpu.memory_space<semaphore_mem>>) src(%dma_wait3A_81 : memref<128x128xf32, #tpu.memory_space<hbm>>) dst(%arg11 : memref<128x128xf32, #tpu.memory_space<vmem>>)
    %add3A_82 = arith.constant 0 : i32
    %add3A_83 = arith.addi %mul3A_2, %add3A_82 : i32
    %mul3A_84 = arith.constant 128 : i32
    %mul3A_85 = arith.muli %add3A_83, %mul3A_84 : i32
    %dma_start3A_86 = arith.constant 0 : i32
    %dma_start3A_87 = tpu.memref_slice %arg4[%mul3A_85, %dma_start3A_86] : memref<3276800x128xf32, #tpu.memory_space<hbm>> -> memref<128x128xf32, #tpu.memory_space<hbm>>
    %dma_start3A_88 = arith.constant 0 : i32
    %dma_start3A_89 = tpu.memref_slice %arg4[%mul3A_85, %dma_start3A_88] : memref<3276800x128xf32, #tpu.memory_space<hbm>> -> memref<128x128xf32, #tpu.memory_space<hbm>>
    tpu.enqueue_dma source(%arg10 : memref<128x128xf32, #tpu.memory_space<vmem>>) target(%dma_start3A_89 : memref<128x128xf32, #tpu.memory_space<hbm>>) target_semaphore(%arg25 : memref<!tpu.dma_semaphore, #tpu.memory_space<semaphore_mem>>)
    %add3A_90 = arith.constant 5 : i32
    %add3A_91 = arith.addi %mul3A_2, %add3A_90 : i32
    %dma_start3A_92 = arith.constant 0 : i32
    %dma_start3A_93 = tpu.memref_slice %arg2[%add3A_91, %dma_start3A_92] : memref<25600x128xi32, #tpu.memory_space<hbm>> -> memref<1x128xi32, #tpu.memory_space<hbm>>
    %dma_start3A_94 = arith.constant 0 : i32
    %dma_start3A_95 = tpu.memref_slice %arg2[%add3A_91, %dma_start3A_94] : memref<25600x128xi32, #tpu.memory_space<hbm>> -> memref<1x128xi32, #tpu.memory_space<hbm>>
    tpu.enqueue_dma source(%dma_start3A_95 : memref<1x128xi32, #tpu.memory_space<hbm>>) target(%arg5 : memref<1x128xi32, #tpu.memory_space<vmem>>) target_semaphore(%arg15 : memref<!tpu.dma_semaphore, #tpu.memory_space<semaphore_mem>>)
    %dma_wait3A_96 = arith.constant 0 : i32
    %dma_wait3A_97 = arith.constant 0 : i32
    %dma_wait3A_98 = tpu.memref_slice %arg2[%dma_wait3A_96, %dma_wait3A_97] : memref<25600x128xi32, #tpu.memory_space<hbm>> -> memref<1x128xi32, #tpu.memory_space<hbm>>
    %dma_wait3A_99 = arith.constant 0 : i32
    %dma_wait3A_100 = arith.constant 0 : i32
    %dma_wait3A_101 = tpu.memref_slice %arg2[%dma_wait3A_99, %dma_wait3A_100] : memref<25600x128xi32, #tpu.memory_space<hbm>> -> memref<1x128xi32, #tpu.memory_space<hbm>>
    tpu.wait_dma2 semaphore(%arg18 : memref<!tpu.dma_semaphore, #tpu.memory_space<semaphore_mem>>) src(%dma_wait3A_101 : memref<1x128xi32, #tpu.memory_space<hbm>>) dst(%arg8 : memref<1x128xi32, #tpu.memory_space<vmem>>)
    %dma_start3A_102 = arith.constant 0 : i32
    %dma_start3A_103 = arith.constant 0 : i32
    %dma_start3A_104 = tpu.memref_slice %arg8[%dma_start3A_102, %dma_start3A_103] : memref<1x128xi32, #tpu.memory_space<vmem>> -> memref<1x128xi32, #tpu.memory_space<vmem>>
    %dma_start3A_105 = tpu.memref_squeeze %dma_start3A_104 : memref<1x128xi32, #tpu.memory_space<vmem>> -> memref<128xi32, #tpu.memory_space<vmem>>
    %dma_start3A_106 = arith.constant 0 : i32
    %dma_start3A_107 = arith.constant 0 : i32
    %dma_start3A_108 = tpu.memref_slice %arg3[%dma_start3A_106, %dma_start3A_107] : memref<8192x128xf32, #tpu.memory_space<hbm>> -> memref<8192x128xf32, #tpu.memory_space<hbm>>
    tpu.enqueue_indirect_dma source(%dma_start3A_108 : memref<8192x128xf32, #tpu.memory_space<hbm>>) target(%arg13 : memref<128x128xf32, #tpu.memory_space<vmem>>) offsets(%dma_start3A_105 : memref<128xi32, #tpu.memory_space<vmem>>) semaphore(%arg23 : memref<!tpu.dma_semaphore, #tpu.memory_space<semaphore_mem>>)
    %dma_wait3A_109 = arith.constant 0 : i32
    %dma_wait3A_110 = arith.constant 0 : i32
    %dma_wait3A_111 = tpu.memref_slice %arg3[%dma_wait3A_109, %dma_wait3A_110] : memref<8192x128xf32, #tpu.memory_space<hbm>> -> memref<128x128xf32, #tpu.memory_space<hbm>>
    %dma_wait3A_112 = arith.constant 0 : i32
    %dma_wait3A_113 = arith.constant 0 : i32
    %dma_wait3A_114 = tpu.memref_slice %arg3[%dma_wait3A_112, %dma_wait3A_113] : memref<8192x128xf32, #tpu.memory_space<hbm>> -> memref<128x128xf32, #tpu.memory_space<hbm>>
    tpu.wait_dma2 semaphore(%arg22 : memref<!tpu.dma_semaphore, #tpu.memory_space<semaphore_mem>>) src(%dma_wait3A_114 : memref<128x128xf32, #tpu.memory_space<hbm>>) dst(%arg12 : memref<128x128xf32, #tpu.memory_space<vmem>>)
    %add3A_115 = arith.constant 1 : i32
    %add3A_116 = arith.addi %mul3A_2, %add3A_115 : i32
    %mul3A_117 = arith.constant 128 : i32
    %mul3A_118 = arith.muli %add3A_116, %mul3A_117 : i32
    %dma_start3A_119 = arith.constant 0 : i32
    %dma_start3A_120 = tpu.memref_slice %arg4[%mul3A_118, %dma_start3A_119] : memref<3276800x128xf32, #tpu.memory_space<hbm>> -> memref<128x128xf32, #tpu.memory_space<hbm>>
    %dma_start3A_121 = arith.constant 0 : i32
    %dma_start3A_122 = tpu.memref_slice %arg4[%mul3A_118, %dma_start3A_121] : memref<3276800x128xf32, #tpu.memory_space<hbm>> -> memref<128x128xf32, #tpu.memory_space<hbm>>
    tpu.enqueue_dma source(%arg11 : memref<128x128xf32, #tpu.memory_space<vmem>>) target(%dma_start3A_122 : memref<128x128xf32, #tpu.memory_space<hbm>>) target_semaphore(%arg26 : memref<!tpu.dma_semaphore, #tpu.memory_space<semaphore_mem>>)
    %add3A_123 = arith.constant 6 : i32
    %add3A_124 = arith.addi %mul3A_2, %add3A_123 : i32
    %dma_start3A_125 = arith.constant 0 : i32
    %dma_start3A_126 = tpu.memref_slice %arg2[%add3A_124, %dma_start3A_125] : memref<25600x128xi32, #tpu.memory_space<hbm>> -> memref<1x128xi32, #tpu.memory_space<hbm>>
    %dma_start3A_127 = arith.constant 0 : i32
    %dma_start3A_128 = tpu.memref_slice %arg2[%add3A_124, %dma_start3A_127] : memref<25600x128xi32, #tpu.memory_space<hbm>> -> memref<1x128xi32, #tpu.memory_space<hbm>>
    tpu.enqueue_dma source(%dma_start3A_128 : memref<1x128xi32, #tpu.memory_space<hbm>>) target(%arg6 : memref<1x128xi32, #tpu.memory_space<vmem>>) target_semaphore(%arg16 : memref<!tpu.dma_semaphore, #tpu.memory_space<semaphore_mem>>)
    %dma_wait3A_129 = arith.constant 0 : i32
    %dma_wait3A_130 = arith.constant 0 : i32
    %dma_wait3A_131 = tpu.memref_slice %arg2[%dma_wait3A_129, %dma_wait3A_130] : memref<25600x128xi32, #tpu.memory_space<hbm>> -> memref<1x128xi32, #tpu.memory_space<hbm>>
    %dma_wait3A_132 = arith.constant 0 : i32
    %dma_wait3A_133 = arith.constant 0 : i32
    %dma_wait3A_134 = tpu.memref_slice %arg2[%dma_wait3A_132, %dma_wait3A_133] : memref<25600x128xi32, #tpu.memory_space<hbm>> -> memref<1x128xi32, #tpu.memory_space<hbm>>
    tpu.wait_dma2 semaphore(%arg19 : memref<!tpu.dma_semaphore, #tpu.memory_space<semaphore_mem>>) src(%dma_wait3A_134 : memref<1x128xi32, #tpu.memory_space<hbm>>) dst(%arg9 : memref<1x128xi32, #tpu.memory_space<vmem>>)
    %dma_start3A_135 = arith.constant 0 : i32
    %dma_start3A_136 = arith.constant 0 : i32
    %dma_start3A_137 = tpu.memref_slice %arg9[%dma_start3A_135, %dma_start3A_136] : memref<1x128xi32, #tpu.memory_space<vmem>> -> memref<1x128xi32, #tpu.memory_space<vmem>>
    %dma_start3A_138 = tpu.memref_squeeze %dma_start3A_137 : memref<1x128xi32, #tpu.memory_space<vmem>> -> memref<128xi32, #tpu.memory_space<vmem>>
    %dma_start3A_139 = arith.constant 0 : i32
    %dma_start3A_140 = arith.constant 0 : i32
    %dma_start3A_141 = tpu.memref_slice %arg3[%dma_start3A_139, %dma_start3A_140] : memref<8192x128xf32, #tpu.memory_space<hbm>> -> memref<8192x128xf32, #tpu.memory_space<hbm>>
    tpu.enqueue_indirect_dma source(%dma_start3A_141 : memref<8192x128xf32, #tpu.memory_space<hbm>>) target(%arg14 : memref<128x128xf32, #tpu.memory_space<vmem>>) offsets(%dma_start3A_138 : memref<128xi32, #tpu.memory_space<vmem>>) semaphore(%arg24 : memref<!tpu.dma_semaphore, #tpu.memory_space<semaphore_mem>>)
    %dma_wait3A_142 = arith.constant 0 : i32
    %dma_wait3A_143 = arith.constant 0 : i32
    %dma_wait3A_144 = tpu.memref_slice %arg3[%dma_wait3A_142, %dma_wait3A_143] : memref<8192x128xf32, #tpu.memory_space<hbm>> -> memref<128x128xf32, #tpu.memory_space<hbm>>
    %dma_wait3A_145 = arith.constant 0 : i32
    %dma_wait3A_146 = arith.constant 0 : i32
    %dma_wait3A_147 = tpu.memref_slice %arg3[%dma_wait3A_145, %dma_wait3A_146] : memref<8192x128xf32, #tpu.memory_space<hbm>> -> memref<128x128xf32, #tpu.memory_space<hbm>>
    tpu.wait_dma2 semaphore(%arg23 : memref<!tpu.dma_semaphore, #tpu.memory_space<semaphore_mem>>) src(%dma_wait3A_147 : memref<128x128xf32, #tpu.memory_space<hbm>>) dst(%arg13 : memref<128x128xf32, #tpu.memory_space<vmem>>)
    %add3A_148 = arith.constant 2 : i32
    %add3A_149 = arith.addi %mul3A_2, %add3A_148 : i32
    %mul3A_150 = arith.constant 128 : i32
    %mul3A_151 = arith.muli %add3A_149, %mul3A_150 : i32
    %dma_start3A_152 = arith.constant 0 : i32
    %dma_start3A_153 = tpu.memref_slice %arg4[%mul3A_151, %dma_start3A_152] : memref<3276800x128xf32, #tpu.memory_space<hbm>> -> memref<128x128xf32, #tpu.memory_space<hbm>>
    %dma_start3A_154 = arith.constant 0 : i32
    %dma_start3A_155 = tpu.memref_slice %arg4[%mul3A_151, %dma_start3A_154] : memref<3276800x128xf32, #tpu.memory_space<hbm>> -> memref<128x128xf32, #tpu.memory_space<hbm>>
    tpu.enqueue_dma source(%arg12 : memref<128x128xf32, #tpu.memory_space<vmem>>) target(%dma_start3A_155 : memref<128x128xf32, #tpu.memory_space<hbm>>) target_semaphore(%arg27 : memref<!tpu.dma_semaphore, #tpu.memory_space<semaphore_mem>>)
    %add3A_156 = arith.constant 7 : i32
    %add3A_157 = arith.addi %mul3A_2, %add3A_156 : i32
    %dma_start3A_158 = arith.constant 0 : i32
    %dma_start3A_159 = tpu.memref_slice %arg2[%add3A_157, %dma_start3A_158] : memref<25600x128xi32, #tpu.memory_space<hbm>> -> memref<1x128xi32, #tpu.memory_space<hbm>>
    %dma_start3A_160 = arith.constant 0 : i32
    %dma_start3A_161 = tpu.memref_slice %arg2[%add3A_157, %dma_start3A_160] : memref<25600x128xi32, #tpu.memory_space<hbm>> -> memref<1x128xi32, #tpu.memory_space<hbm>>
    tpu.enqueue_dma source(%dma_start3A_161 : memref<1x128xi32, #tpu.memory_space<hbm>>) target(%arg7 : memref<1x128xi32, #tpu.memory_space<vmem>>) target_semaphore(%arg17 : memref<!tpu.dma_semaphore, #tpu.memory_space<semaphore_mem>>)
    %dma_wait3A_162 = arith.constant 0 : i32
    %dma_wait3A_163 = arith.constant 0 : i32
    %dma_wait3A_164 = tpu.memref_slice %arg4[%dma_wait3A_162, %dma_wait3A_163] : memref<3276800x128xf32, #tpu.memory_space<hbm>> -> memref<128x128xf32, #tpu.memory_space<hbm>>
    %dma_wait3A_165 = arith.constant 0 : i32
    %dma_wait3A_166 = arith.constant 0 : i32
    %dma_wait3A_167 = tpu.memref_slice %arg4[%dma_wait3A_165, %dma_wait3A_166] : memref<3276800x128xf32, #tpu.memory_space<hbm>> -> memref<128x128xf32, #tpu.memory_space<hbm>>
    tpu.wait_dma2 semaphore(%arg25 : memref<!tpu.dma_semaphore, #tpu.memory_space<semaphore_mem>>) src(%arg10 : memref<128x128xf32, #tpu.memory_space<vmem>>) dst(%dma_wait3A_167 : memref<128x128xf32, #tpu.memory_space<hbm>>)
    %dma_wait3A_168 = arith.constant 0 : i32
    %dma_wait3A_169 = arith.constant 0 : i32
    %dma_wait3A_170 = tpu.memref_slice %arg2[%dma_wait3A_168, %dma_wait3A_169] : memref<25600x128xi32, #tpu.memory_space<hbm>> -> memref<1x128xi32, #tpu.memory_space<hbm>>
    %dma_wait3A_171 = arith.constant 0 : i32
    %dma_wait3A_172 = arith.constant 0 : i32
    %dma_wait3A_173 = tpu.memref_slice %arg2[%dma_wait3A_171, %dma_wait3A_172] : memref<25600x128xi32, #tpu.memory_space<hbm>> -> memref<1x128xi32, #tpu.memory_space<hbm>>
    tpu.wait_dma2 semaphore(%arg15 : memref<!tpu.dma_semaphore, #tpu.memory_space<semaphore_mem>>) src(%dma_wait3A_173 : memref<1x128xi32, #tpu.memory_space<hbm>>) dst(%arg5 : memref<1x128xi32, #tpu.memory_space<vmem>>)
    %dma_start3A_174 = arith.constant 0 : i32
    %dma_start3A_175 = arith.constant 0 : i32
    %dma_start3A_176 = tpu.memref_slice %arg5[%dma_start3A_174, %dma_start3A_175] : memref<1x128xi32, #tpu.memory_space<vmem>> -> memref<1x128xi32, #tpu.memory_space<vmem>>
    %dma_start3A_177 = tpu.memref_squeeze %dma_start3A_176 : memref<1x128xi32, #tpu.memory_space<vmem>> -> memref<128xi32, #tpu.memory_space<vmem>>
    %dma_start3A_178 = arith.constant 0 : i32
    %dma_start3A_179 = arith.constant 0 : i32
    %dma_start3A_180 = tpu.memref_slice %arg3[%dma_start3A_178, %dma_start3A_179] : memref<8192x128xf32, #tpu.memory_space<hbm>> -> memref<8192x128xf32, #tpu.memory_space<hbm>>
    tpu.enqueue_indirect_dma source(%dma_start3A_180 : memref<8192x128xf32, #tpu.memory_space<hbm>>) target(%arg10 : memref<128x128xf32, #tpu.memory_space<vmem>>) offsets(%dma_start3A_177 : memref<128xi32, #tpu.memory_space<vmem>>) semaphore(%arg20 : memref<!tpu.dma_semaphore, #tpu.memory_space<semaphore_mem>>)
    %dma_wait3A_181 = arith.constant 0 : i32
    %dma_wait3A_182 = arith.constant 0 : i32
    %dma_wait3A_183 = tpu.memref_slice %arg3[%dma_wait3A_181, %dma_wait3A_182] : memref<8192x128xf32, #tpu.memory_space<hbm>> -> memref<128x128xf32, #tpu.memory_space<hbm>>
    %dma_wait3A_184 = arith.constant 0 : i32
    %dma_wait3A_185 = arith.constant 0 : i32
    %dma_wait3A_186 = tpu.memref_slice %arg3[%dma_wait3A_184, %dma_wait3A_185] : memref<8192x128xf32, #tpu.memory_space<hbm>> -> memref<128x128xf32, #tpu.memory_space<hbm>>
    tpu.wait_dma2 semaphore(%arg24 : memref<!tpu.dma_semaphore, #tpu.memory_space<semaphore_mem>>) src(%dma_wait3A_186 : memref<128x128xf32, #tpu.memory_space<hbm>>) dst(%arg14 : memref<128x128xf32, #tpu.memory_space<vmem>>)
    %add3A_187 = arith.constant 3 : i32
    %add3A_188 = arith.addi %mul3A_2, %add3A_187 : i32
    %mul3A_189 = arith.constant 128 : i32
    %mul3A_190 = arith.muli %add3A_188, %mul3A_189 : i32
    %dma_start3A_191 = arith.constant 0 : i32
    %dma_start3A_192 = tpu.memref_slice %arg4[%mul3A_190, %dma_start3A_191] : memref<3276800x128xf32, #tpu.memory_space<hbm>> -> memref<128x128xf32, #tpu.memory_space<hbm>>
    %dma_start3A_193 = arith.constant 0 : i32
    %dma_start3A_194 = tpu.memref_slice %arg4[%mul3A_190, %dma_start3A_193] : memref<3276800x128xf32, #tpu.memory_space<hbm>> -> memref<128x128xf32, #tpu.memory_space<hbm>>
    tpu.enqueue_dma source(%arg13 : memref<128x128xf32, #tpu.memory_space<vmem>>) target(%dma_start3A_194 : memref<128x128xf32, #tpu.memory_space<hbm>>) target_semaphore(%arg28 : memref<!tpu.dma_semaphore, #tpu.memory_space<semaphore_mem>>)
    %add3A_195 = arith.constant 8 : i32
    %add3A_196 = arith.addi %mul3A_2, %add3A_195 : i32
    %dma_start3A_197 = arith.constant 0 : i32
    %dma_start3A_198 = tpu.memref_slice %arg2[%add3A_196, %dma_start3A_197] : memref<25600x128xi32, #tpu.memory_space<hbm>> -> memref<1x128xi32, #tpu.memory_space<hbm>>
    %dma_start3A_199 = arith.constant 0 : i32
    %dma_start3A_200 = tpu.memref_slice %arg2[%add3A_196, %dma_start3A_199] : memref<25600x128xi32, #tpu.memory_space<hbm>> -> memref<1x128xi32, #tpu.memory_space<hbm>>
    tpu.enqueue_dma source(%dma_start3A_200 : memref<1x128xi32, #tpu.memory_space<hbm>>) target(%arg8 : memref<1x128xi32, #tpu.memory_space<vmem>>) target_semaphore(%arg18 : memref<!tpu.dma_semaphore, #tpu.memory_space<semaphore_mem>>)
    %dma_wait3A_201 = arith.constant 0 : i32
    %dma_wait3A_202 = arith.constant 0 : i32
    %dma_wait3A_203 = tpu.memref_slice %arg4[%dma_wait3A_201, %dma_wait3A_202] : memref<3276800x128xf32, #tpu.memory_space<hbm>> -> memref<128x128xf32, #tpu.memory_space<hbm>>
    %dma_wait3A_204 = arith.constant 0 : i32
    %dma_wait3A_205 = arith.constant 0 : i32
    %dma_wait3A_206 = tpu.memref_slice %arg4[%dma_wait3A_204, %dma_wait3A_205] : memref<3276800x128xf32, #tpu.memory_space<hbm>> -> memref<128x128xf32, #tpu.memory_space<hbm>>
    tpu.wait_dma2 semaphore(%arg26 : memref<!tpu.dma_semaphore, #tpu.memory_space<semaphore_mem>>) src(%arg11 : memref<128x128xf32, #tpu.memory_space<vmem>>) dst(%dma_wait3A_206 : memref<128x128xf32, #tpu.memory_space<hbm>>)
    %dma_wait3A_207 = arith.constant 0 : i32
    %dma_wait3A_208 = arith.constant 0 : i32
    %dma_wait3A_209 = tpu.memref_slice %arg2[%dma_wait3A_207, %dma_wait3A_208] : memref<25600x128xi32, #tpu.memory_space<hbm>> -> memref<1x128xi32, #tpu.memory_space<hbm>>
    %dma_wait3A_210 = arith.constant 0 : i32
    %dma_wait3A_211 = arith.constant 0 : i32
    %dma_wait3A_212 = tpu.memref_slice %arg2[%dma_wait3A_210, %dma_wait3A_211] : memref<25600x128xi32, #tpu.memory_space<hbm>> -> memref<1x128xi32, #tpu.memory_space<hbm>>
    tpu.wait_dma2 semaphore(%arg16 : memref<!tpu.dma_semaphore, #tpu.memory_space<semaphore_mem>>) src(%dma_wait3A_212 : memref<1x128xi32, #tpu.memory_space<hbm>>) dst(%arg6 : memref<1x128xi32, #tpu.memory_space<vmem>>)
    %dma_start3A_213 = arith.constant 0 : i32
    %dma_start3A_214 = arith.constant 0 : i32
    %dma_start3A_215 = tpu.memref_slice %arg6[%dma_start3A_213, %dma_start3A_214] : memref<1x128xi32, #tpu.memory_space<vmem>> -> memref<1x128xi32, #tpu.memory_space<vmem>>
    %dma_start3A_216 = tpu.memref_squeeze %dma_start3A_215 : memref<1x128xi32, #tpu.memory_space<vmem>> -> memref<128xi32, #tpu.memory_space<vmem>>
    %dma_start3A_217 = arith.constant 0 : i32
    %dma_start3A_218 = arith.constant 0 : i32
    %dma_start3A_219 = tpu.memref_slice %arg3[%dma_start3A_217, %dma_start3A_218] : memref<8192x128xf32, #tpu.memory_space<hbm>> -> memref<8192x128xf32, #tpu.memory_space<hbm>>
    tpu.enqueue_indirect_dma source(%dma_start3A_219 : memref<8192x128xf32, #tpu.memory_space<hbm>>) target(%arg11 : memref<128x128xf32, #tpu.memory_space<vmem>>) offsets(%dma_start3A_216 : memref<128xi32, #tpu.memory_space<vmem>>) semaphore(%arg21 : memref<!tpu.dma_semaphore, #tpu.memory_space<semaphore_mem>>)
    %scan3A = arith.constant 0 : i32
    %scan3A_220 = arith.constant 1 : i32
    %scan3A_221 = arith.constant 158 : i32
    %scan3A_222 = arith.addi %scan3A_220, %scan3A_221 : i32
    %scan3A_223 = arith.constant 1 : i32
    scf.for %scan3A_396 = %scan3A_220 to %scan3A_222 step %scan3A_223  : i32 {
      %mul3A_397 = arith.constant 5 : i32
      %mul3A_398 = arith.muli %scan3A_396, %mul3A_397 : i32
      %add3A_399 = arith.constant 0 : i32
      %add3A_400 = arith.addi %mul3A_398, %add3A_399 : i32
      %dma_wait3A_401 = arith.constant 0 : i32
      %dma_wait3A_402 = arith.constant 0 : i32
      %dma_wait3A_403 = tpu.memref_slice %arg3[%dma_wait3A_401, %dma_wait3A_402] : memref<8192x128xf32, #tpu.memory_space<hbm>> -> memref<128x128xf32, #tpu.memory_space<hbm>>
      %dma_wait3A_404 = arith.constant 0 : i32
      %dma_wait3A_405 = arith.constant 0 : i32
      %dma_wait3A_406 = tpu.memref_slice %arg3[%dma_wait3A_404, %dma_wait3A_405] : memref<8192x128xf32, #tpu.memory_space<hbm>> -> memref<128x128xf32, #tpu.memory_space<hbm>>
      tpu.wait_dma2 semaphore(%arg20 : memref<!tpu.dma_semaphore, #tpu.memory_space<semaphore_mem>>) src(%dma_wait3A_406 : memref<128x128xf32, #tpu.memory_space<hbm>>) dst(%arg10 : memref<128x128xf32, #tpu.memory_space<vmem>>)
      %sub3A = arith.constant 1 : i32
      %sub3A_407 = arith.subi %add3A_400, %sub3A : i32
      %add3A_408 = arith.addi %mul3A_2, %sub3A_407 : i32
      %mul3A_409 = arith.constant 128 : i32
      %mul3A_410 = arith.muli %add3A_408, %mul3A_409 : i32
      %dma_start3A_411 = arith.constant 0 : i32
      %dma_start3A_412 = tpu.memref_slice %arg4[%mul3A_410, %dma_start3A_411] : memref<3276800x128xf32, #tpu.memory_space<hbm>> -> memref<128x128xf32, #tpu.memory_space<hbm>>
      %dma_start3A_413 = arith.constant 0 : i32
      %dma_start3A_414 = tpu.memref_slice %arg4[%mul3A_410, %dma_start3A_413] : memref<3276800x128xf32, #tpu.memory_space<hbm>> -> memref<128x128xf32, #tpu.memory_space<hbm>>
      tpu.enqueue_dma source(%arg14 : memref<128x128xf32, #tpu.memory_space<vmem>>) target(%dma_start3A_414 : memref<128x128xf32, #tpu.memory_space<hbm>>) target_semaphore(%arg29 : memref<!tpu.dma_semaphore, #tpu.memory_space<semaphore_mem>>)
      %add3A_415 = arith.constant 4 : i32
      %add3A_416 = arith.addi %add3A_400, %add3A_415 : i32
      %add3A_417 = arith.addi %mul3A_2, %add3A_416 : i32
      %dma_start3A_418 = arith.constant 0 : i32
      %dma_start3A_419 = tpu.memref_slice %arg2[%add3A_417, %dma_start3A_418] : memref<25600x128xi32, #tpu.memory_space<hbm>> -> memref<1x128xi32, #tpu.memory_space<hbm>>
      %dma_start3A_420 = arith.constant 0 : i32
      %dma_start3A_421 = tpu.memref_slice %arg2[%add3A_417, %dma_start3A_420] : memref<25600x128xi32, #tpu.memory_space<hbm>> -> memref<1x128xi32, #tpu.memory_space<hbm>>
      tpu.enqueue_dma source(%dma_start3A_421 : memref<1x128xi32, #tpu.memory_space<hbm>>) target(%arg9 : memref<1x128xi32, #tpu.memory_space<vmem>>) target_semaphore(%arg19 : memref<!tpu.dma_semaphore, #tpu.memory_space<semaphore_mem>>)
      %dma_wait3A_422 = arith.constant 0 : i32
      %dma_wait3A_423 = arith.constant 0 : i32
      %dma_wait3A_424 = tpu.memref_slice %arg4[%dma_wait3A_422, %dma_wait3A_423] : memref<3276800x128xf32, #tpu.memory_space<hbm>> -> memref<128x128xf32, #tpu.memory_space<hbm>>
      %dma_wait3A_425 = arith.constant 0 : i32
      %dma_wait3A_426 = arith.constant 0 : i32
      %dma_wait3A_427 = tpu.memref_slice %arg4[%dma_wait3A_425, %dma_wait3A_426] : memref<3276800x128xf32, #tpu.memory_space<hbm>> -> memref<128x128xf32, #tpu.memory_space<hbm>>
      tpu.wait_dma2 semaphore(%arg27 : memref<!tpu.dma_semaphore, #tpu.memory_space<semaphore_mem>>) src(%arg12 : memref<128x128xf32, #tpu.memory_space<vmem>>) dst(%dma_wait3A_427 : memref<128x128xf32, #tpu.memory_space<hbm>>)
      %dma_wait3A_428 = arith.constant 0 : i32
      %dma_wait3A_429 = arith.constant 0 : i32
      %dma_wait3A_430 = tpu.memref_slice %arg2[%dma_wait3A_428, %dma_wait3A_429] : memref<25600x128xi32, #tpu.memory_space<hbm>> -> memref<1x128xi32, #tpu.memory_space<hbm>>
      %dma_wait3A_431 = arith.constant 0 : i32
      %dma_wait3A_432 = arith.constant 0 : i32
      %dma_wait3A_433 = tpu.memref_slice %arg2[%dma_wait3A_431, %dma_wait3A_432] : memref<25600x128xi32, #tpu.memory_space<hbm>> -> memref<1x128xi32, #tpu.memory_space<hbm>>
      tpu.wait_dma2 semaphore(%arg17 : memref<!tpu.dma_semaphore, #tpu.memory_space<semaphore_mem>>) src(%dma_wait3A_433 : memref<1x128xi32, #tpu.memory_space<hbm>>) dst(%arg7 : memref<1x128xi32, #tpu.memory_space<vmem>>)
      %dma_start3A_434 = arith.constant 0 : i32
      %dma_start3A_435 = arith.constant 0 : i32
      %dma_start3A_436 = tpu.memref_slice %arg7[%dma_start3A_434, %dma_start3A_435] : memref<1x128xi32, #tpu.memory_space<vmem>> -> memref<1x128xi32, #tpu.memory_space<vmem>>
      %dma_start3A_437 = tpu.memref_squeeze %dma_start3A_436 : memref<1x128xi32, #tpu.memory_space<vmem>> -> memref<128xi32, #tpu.memory_space<vmem>>
      %dma_start3A_438 = arith.constant 0 : i32
      %dma_start3A_439 = arith.constant 0 : i32
      %dma_start3A_440 = tpu.memref_slice %arg3[%dma_start3A_438, %dma_start3A_439] : memref<8192x128xf32, #tpu.memory_space<hbm>> -> memref<8192x128xf32, #tpu.memory_space<hbm>>
      tpu.enqueue_indirect_dma source(%dma_start3A_440 : memref<8192x128xf32, #tpu.memory_space<hbm>>) target(%arg12 : memref<128x128xf32, #tpu.memory_space<vmem>>) offsets(%dma_start3A_437 : memref<128xi32, #tpu.memory_space<vmem>>) semaphore(%arg22 : memref<!tpu.dma_semaphore, #tpu.memory_space<semaphore_mem>>)
      %add3A_441 = arith.constant 1 : i32
      %add3A_442 = arith.addi %mul3A_398, %add3A_441 : i32
      %dma_wait3A_443 = arith.constant 0 : i32
      %dma_wait3A_444 = arith.constant 0 : i32
      %dma_wait3A_445 = tpu.memref_slice %arg3[%dma_wait3A_443, %dma_wait3A_444] : memref<8192x128xf32, #tpu.memory_space<hbm>> -> memref<128x128xf32, #tpu.memory_space<hbm>>
      %dma_wait3A_446 = arith.constant 0 : i32
      %dma_wait3A_447 = arith.constant 0 : i32
      %dma_wait3A_448 = tpu.memref_slice %arg3[%dma_wait3A_446, %dma_wait3A_447] : memref<8192x128xf32, #tpu.memory_space<hbm>> -> memref<128x128xf32, #tpu.memory_space<hbm>>
      tpu.wait_dma2 semaphore(%arg21 : memref<!tpu.dma_semaphore, #tpu.memory_space<semaphore_mem>>) src(%dma_wait3A_448 : memref<128x128xf32, #tpu.memory_space<hbm>>) dst(%arg11 : memref<128x128xf32, #tpu.memory_space<vmem>>)
      %sub3A_449 = arith.constant 1 : i32
      %sub3A_450 = arith.subi %add3A_442, %sub3A_449 : i32
      %add3A_451 = arith.addi %mul3A_2, %sub3A_450 : i32
      %mul3A_452 = arith.constant 128 : i32
      %mul3A_453 = arith.muli %add3A_451, %mul3A_452 : i32
      %dma_start3A_454 = arith.constant 0 : i32
      %dma_start3A_455 = tpu.memref_slice %arg4[%mul3A_453, %dma_start3A_454] : memref<3276800x128xf32, #tpu.memory_space<hbm>> -> memref<128x128xf32, #tpu.memory_space<hbm>>
      %dma_start3A_456 = arith.constant 0 : i32
      %dma_start3A_457 = tpu.memref_slice %arg4[%mul3A_453, %dma_start3A_456] : memref<3276800x128xf32, #tpu.memory_space<hbm>> -> memref<128x128xf32, #tpu.memory_space<hbm>>
      tpu.enqueue_dma source(%arg10 : memref<128x128xf32, #tpu.memory_space<vmem>>) target(%dma_start3A_457 : memref<128x128xf32, #tpu.memory_space<hbm>>) target_semaphore(%arg25 : memref<!tpu.dma_semaphore, #tpu.memory_space<semaphore_mem>>)
      %add3A_458 = arith.constant 4 : i32
      %add3A_459 = arith.addi %add3A_442, %add3A_458 : i32
      %add3A_460 = arith.addi %mul3A_2, %add3A_459 : i32
      %dma_start3A_461 = arith.constant 0 : i32
      %dma_start3A_462 = tpu.memref_slice %arg2[%add3A_460, %dma_start3A_461] : memref<25600x128xi32, #tpu.memory_space<hbm>> -> memref<1x128xi32, #tpu.memory_space<hbm>>
      %dma_start3A_463 = arith.constant 0 : i32
      %dma_start3A_464 = tpu.memref_slice %arg2[%add3A_460, %dma_start3A_463] : memref<25600x128xi32, #tpu.memory_space<hbm>> -> memref<1x128xi32, #tpu.memory_space<hbm>>
      tpu.enqueue_dma source(%dma_start3A_464 : memref<1x128xi32, #tpu.memory_space<hbm>>) target(%arg5 : memref<1x128xi32, #tpu.memory_space<vmem>>) target_semaphore(%arg15 : memref<!tpu.dma_semaphore, #tpu.memory_space<semaphore_mem>>)
      %dma_wait3A_465 = arith.constant 0 : i32
      %dma_wait3A_466 = arith.constant 0 : i32
      %dma_wait3A_467 = tpu.memref_slice %arg4[%dma_wait3A_465, %dma_wait3A_466] : memref<3276800x128xf32, #tpu.memory_space<hbm>> -> memref<128x128xf32, #tpu.memory_space<hbm>>
      %dma_wait3A_468 = arith.constant 0 : i32
      %dma_wait3A_469 = arith.constant 0 : i32
      %dma_wait3A_470 = tpu.memref_slice %arg4[%dma_wait3A_468, %dma_wait3A_469] : memref<3276800x128xf32, #tpu.memory_space<hbm>> -> memref<128x128xf32, #tpu.memory_space<hbm>>
      tpu.wait_dma2 semaphore(%arg28 : memref<!tpu.dma_semaphore, #tpu.memory_space<semaphore_mem>>) src(%arg13 : memref<128x128xf32, #tpu.memory_space<vmem>>) dst(%dma_wait3A_470 : memref<128x128xf32, #tpu.memory_space<hbm>>)
      %dma_wait3A_471 = arith.constant 0 : i32
      %dma_wait3A_472 = arith.constant 0 : i32
      %dma_wait3A_473 = tpu.memref_slice %arg2[%dma_wait3A_471, %dma_wait3A_472] : memref<25600x128xi32, #tpu.memory_space<hbm>> -> memref<1x128xi32, #tpu.memory_space<hbm>>
      %dma_wait3A_474 = arith.constant 0 : i32
      %dma_wait3A_475 = arith.constant 0 : i32
      %dma_wait3A_476 = tpu.memref_slice %arg2[%dma_wait3A_474, %dma_wait3A_475] : memref<25600x128xi32, #tpu.memory_space<hbm>> -> memref<1x128xi32, #tpu.memory_space<hbm>>
      tpu.wait_dma2 semaphore(%arg18 : memref<!tpu.dma_semaphore, #tpu.memory_space<semaphore_mem>>) src(%dma_wait3A_476 : memref<1x128xi32, #tpu.memory_space<hbm>>) dst(%arg8 : memref<1x128xi32, #tpu.memory_space<vmem>>)
      %dma_start3A_477 = arith.constant 0 : i32
      %dma_start3A_478 = arith.constant 0 : i32
      %dma_start3A_479 = tpu.memref_slice %arg8[%dma_start3A_477, %dma_start3A_478] : memref<1x128xi32, #tpu.memory_space<vmem>> -> memref<1x128xi32, #tpu.memory_space<vmem>>
      %dma_start3A_480 = tpu.memref_squeeze %dma_start3A_479 : memref<1x128xi32, #tpu.memory_space<vmem>> -> memref<128xi32, #tpu.memory_space<vmem>>
      %dma_start3A_481 = arith.constant 0 : i32
      %dma_start3A_482 = arith.constant 0 : i32
      %dma_start3A_483 = tpu.memref_slice %arg3[%dma_start3A_481, %dma_start3A_482] : memref<8192x128xf32, #tpu.memory_space<hbm>> -> memref<8192x128xf32, #tpu.memory_space<hbm>>
      tpu.enqueue_indirect_dma source(%dma_start3A_483 : memref<8192x128xf32, #tpu.memory_space<hbm>>) target(%arg13 : memref<128x128xf32, #tpu.memory_space<vmem>>) offsets(%dma_start3A_480 : memref<128xi32, #tpu.memory_space<vmem>>) semaphore(%arg23 : memref<!tpu.dma_semaphore, #tpu.memory_space<semaphore_mem>>)
      %add3A_484 = arith.constant 2 : i32
      %add3A_485 = arith.addi %mul3A_398, %add3A_484 : i32
      %dma_wait3A_486 = arith.constant 0 : i32
      %dma_wait3A_487 = arith.constant 0 : i32
      %dma_wait3A_488 = tpu.memref_slice %arg3[%dma_wait3A_486, %dma_wait3A_487] : memref<8192x128xf32, #tpu.memory_space<hbm>> -> memref<128x128xf32, #tpu.memory_space<hbm>>
      %dma_wait3A_489 = arith.constant 0 : i32
      %dma_wait3A_490 = arith.constant 0 : i32
      %dma_wait3A_491 = tpu.memref_slice %arg3[%dma_wait3A_489, %dma_wait3A_490] : memref<8192x128xf32, #tpu.memory_space<hbm>> -> memref<128x128xf32, #tpu.memory_space<hbm>>
      tpu.wait_dma2 semaphore(%arg22 : memref<!tpu.dma_semaphore, #tpu.memory_space<semaphore_mem>>) src(%dma_wait3A_491 : memref<128x128xf32, #tpu.memory_space<hbm>>) dst(%arg12 : memref<128x128xf32, #tpu.memory_space<vmem>>)
      %sub3A_492 = arith.constant 1 : i32
      %sub3A_493 = arith.subi %add3A_485, %sub3A_492 : i32
      %add3A_494 = arith.addi %mul3A_2, %sub3A_493 : i32
      %mul3A_495 = arith.constant 128 : i32
      %mul3A_496 = arith.muli %add3A_494, %mul3A_495 : i32
      %dma_start3A_497 = arith.constant 0 : i32
      %dma_start3A_498 = tpu.memref_slice %arg4[%mul3A_496, %dma_start3A_497] : memref<3276800x128xf32, #tpu.memory_space<hbm>> -> memref<128x128xf32, #tpu.memory_space<hbm>>
      %dma_start3A_499 = arith.constant 0 : i32
      %dma_start3A_500 = tpu.memref_slice %arg4[%mul3A_496, %dma_start3A_499] : memref<3276800x128xf32, #tpu.memory_space<hbm>> -> memref<128x128xf32, #tpu.memory_space<hbm>>
      tpu.enqueue_dma source(%arg11 : memref<128x128xf32, #tpu.memory_space<vmem>>) target(%dma_start3A_500 : memref<128x128xf32, #tpu.memory_space<hbm>>) target_semaphore(%arg26 : memref<!tpu.dma_semaphore, #tpu.memory_space<semaphore_mem>>)
      %add3A_501 = arith.constant 4 : i32
      %add3A_502 = arith.addi %add3A_485, %add3A_501 : i32
      %add3A_503 = arith.addi %mul3A_2, %add3A_502 : i32
      %dma_start3A_504 = arith.constant 0 : i32
      %dma_start3A_505 = tpu.memref_slice %arg2[%add3A_503, %dma_start3A_504] : memref<25600x128xi32, #tpu.memory_space<hbm>> -> memref<1x128xi32, #tpu.memory_space<hbm>>
      %dma_start3A_506 = arith.constant 0 : i32
      %dma_start3A_507 = tpu.memref_slice %arg2[%add3A_503, %dma_start3A_506] : memref<25600x128xi32, #tpu.memory_space<hbm>> -> memref<1x128xi32, #tpu.memory_space<hbm>>
      tpu.enqueue_dma source(%dma_start3A_507 : memref<1x128xi32, #tpu.memory_space<hbm>>) target(%arg6 : memref<1x128xi32, #tpu.memory_space<vmem>>) target_semaphore(%arg16 : memref<!tpu.dma_semaphore, #tpu.memory_space<semaphore_mem>>)
      %dma_wait3A_508 = arith.constant 0 : i32
      %dma_wait3A_509 = arith.constant 0 : i32
      %dma_wait3A_510 = tpu.memref_slice %arg4[%dma_wait3A_508, %dma_wait3A_509] : memref<3276800x128xf32, #tpu.memory_space<hbm>> -> memref<128x128xf32, #tpu.memory_space<hbm>>
      %dma_wait3A_511 = arith.constant 0 : i32
      %dma_wait3A_512 = arith.constant 0 : i32
      %dma_wait3A_513 = tpu.memref_slice %arg4[%dma_wait3A_511, %dma_wait3A_512] : memref<3276800x128xf32, #tpu.memory_space<hbm>> -> memref<128x128xf32, #tpu.memory_space<hbm>>
      tpu.wait_dma2 semaphore(%arg29 : memref<!tpu.dma_semaphore, #tpu.memory_space<semaphore_mem>>) src(%arg14 : memref<128x128xf32, #tpu.memory_space<vmem>>) dst(%dma_wait3A_513 : memref<128x128xf32, #tpu.memory_space<hbm>>)
      %dma_wait3A_514 = arith.constant 0 : i32
      %dma_wait3A_515 = arith.constant 0 : i32
      %dma_wait3A_516 = tpu.memref_slice %arg2[%dma_wait3A_514, %dma_wait3A_515] : memref<25600x128xi32, #tpu.memory_space<hbm>> -> memref<1x128xi32, #tpu.memory_space<hbm>>
      %dma_wait3A_517 = arith.constant 0 : i32
      %dma_wait3A_518 = arith.constant 0 : i32
      %dma_wait3A_519 = tpu.memref_slice %arg2[%dma_wait3A_517, %dma_wait3A_518] : memref<25600x128xi32, #tpu.memory_space<hbm>> -> memref<1x128xi32, #tpu.memory_space<hbm>>
      tpu.wait_dma2 semaphore(%arg19 : memref<!tpu.dma_semaphore, #tpu.memory_space<semaphore_mem>>) src(%dma_wait3A_519 : memref<1x128xi32, #tpu.memory_space<hbm>>) dst(%arg9 : memref<1x128xi32, #tpu.memory_space<vmem>>)
      %dma_start3A_520 = arith.constant 0 : i32
      %dma_start3A_521 = arith.constant 0 : i32
      %dma_start3A_522 = tpu.memref_slice %arg9[%dma_start3A_520, %dma_start3A_521] : memref<1x128xi32, #tpu.memory_space<vmem>> -> memref<1x128xi32, #tpu.memory_space<vmem>>
      %dma_start3A_523 = tpu.memref_squeeze %dma_start3A_522 : memref<1x128xi32, #tpu.memory_space<vmem>> -> memref<128xi32, #tpu.memory_space<vmem>>
      %dma_start3A_524 = arith.constant 0 : i32
      %dma_start3A_525 = arith.constant 0 : i32
      %dma_start3A_526 = tpu.memref_slice %arg3[%dma_start3A_524, %dma_start3A_525] : memref<8192x128xf32, #tpu.memory_space<hbm>> -> memref<8192x128xf32, #tpu.memory_space<hbm>>
      tpu.enqueue_indirect_dma source(%dma_start3A_526 : memref<8192x128xf32, #tpu.memory_space<hbm>>) target(%arg14 : memref<128x128xf32, #tpu.memory_space<vmem>>) offsets(%dma_start3A_523 : memref<128xi32, #tpu.memory_space<vmem>>) semaphore(%arg24 : memref<!tpu.dma_semaphore, #tpu.memory_space<semaphore_mem>>)
      %add3A_527 = arith.constant 3 : i32
      %add3A_528 = arith.addi %mul3A_398, %add3A_527 : i32
      %dma_wait3A_529 = arith.constant 0 : i32
      %dma_wait3A_530 = arith.constant 0 : i32
      %dma_wait3A_531 = tpu.memref_slice %arg3[%dma_wait3A_529, %dma_wait3A_530] : memref<8192x128xf32, #tpu.memory_space<hbm>> -> memref<128x128xf32, #tpu.memory_space<hbm>>
      %dma_wait3A_532 = arith.constant 0 : i32
      %dma_wait3A_533 = arith.constant 0 : i32
      %dma_wait3A_534 = tpu.memref_slice %arg3[%dma_wait3A_532, %dma_wait3A_533] : memref<8192x128xf32, #tpu.memory_space<hbm>> -> memref<128x128xf32, #tpu.memory_space<hbm>>
      tpu.wait_dma2 semaphore(%arg23 : memref<!tpu.dma_semaphore, #tpu.memory_space<semaphore_mem>>) src(%dma_wait3A_534 : memref<128x128xf32, #tpu.memory_space<hbm>>) dst(%arg13 : memref<128x128xf32, #tpu.memory_space<vmem>>)
      %sub3A_535 = arith.constant 1 : i32
      %sub3A_536 = arith.subi %add3A_528, %sub3A_535 : i32
      %add3A_537 = arith.addi %mul3A_2, %sub3A_536 : i32
      %mul3A_538 = arith.constant 128 : i32
      %mul3A_539 = arith.muli %add3A_537, %mul3A_538 : i32
      %dma_start3A_540 = arith.constant 0 : i32
      %dma_start3A_541 = tpu.memref_slice %arg4[%mul3A_539, %dma_start3A_540] : memref<3276800x128xf32, #tpu.memory_space<hbm>> -> memref<128x128xf32, #tpu.memory_space<hbm>>
      %dma_start3A_542 = arith.constant 0 : i32
      %dma_start3A_543 = tpu.memref_slice %arg4[%mul3A_539, %dma_start3A_542] : memref<3276800x128xf32, #tpu.memory_space<hbm>> -> memref<128x128xf32, #tpu.memory_space<hbm>>
      tpu.enqueue_dma source(%arg12 : memref<128x128xf32, #tpu.memory_space<vmem>>) target(%dma_start3A_543 : memref<128x128xf32, #tpu.memory_space<hbm>>) target_semaphore(%arg27 : memref<!tpu.dma_semaphore, #tpu.memory_space<semaphore_mem>>)
      %add3A_544 = arith.constant 4 : i32
      %add3A_545 = arith.addi %add3A_528, %add3A_544 : i32
      %add3A_546 = arith.addi %mul3A_2, %add3A_545 : i32
      %dma_start3A_547 = arith.constant 0 : i32
      %dma_start3A_548 = tpu.memref_slice %arg2[%add3A_546, %dma_start3A_547] : memref<25600x128xi32, #tpu.memory_space<hbm>> -> memref<1x128xi32, #tpu.memory_space<hbm>>
      %dma_start3A_549 = arith.constant 0 : i32
      %dma_start3A_550 = tpu.memref_slice %arg2[%add3A_546, %dma_start3A_549] : memref<25600x128xi32, #tpu.memory_space<hbm>> -> memref<1x128xi32, #tpu.memory_space<hbm>>
      tpu.enqueue_dma source(%dma_start3A_550 : memref<1x128xi32, #tpu.memory_space<hbm>>) target(%arg7 : memref<1x128xi32, #tpu.memory_space<vmem>>) target_semaphore(%arg17 : memref<!tpu.dma_semaphore, #tpu.memory_space<semaphore_mem>>)
      %dma_wait3A_551 = arith.constant 0 : i32
      %dma_wait3A_552 = arith.constant 0 : i32
      %dma_wait3A_553 = tpu.memref_slice %arg4[%dma_wait3A_551, %dma_wait3A_552] : memref<3276800x128xf32, #tpu.memory_space<hbm>> -> memref<128x128xf32, #tpu.memory_space<hbm>>
      %dma_wait3A_554 = arith.constant 0 : i32
      %dma_wait3A_555 = arith.constant 0 : i32
      %dma_wait3A_556 = tpu.memref_slice %arg4[%dma_wait3A_554, %dma_wait3A_555] : memref<3276800x128xf32, #tpu.memory_space<hbm>> -> memref<128x128xf32, #tpu.memory_space<hbm>>
      tpu.wait_dma2 semaphore(%arg25 : memref<!tpu.dma_semaphore, #tpu.memory_space<semaphore_mem>>) src(%arg10 : memref<128x128xf32, #tpu.memory_space<vmem>>) dst(%dma_wait3A_556 : memref<128x128xf32, #tpu.memory_space<hbm>>)
      %dma_wait3A_557 = arith.constant 0 : i32
      %dma_wait3A_558 = arith.constant 0 : i32
      %dma_wait3A_559 = tpu.memref_slice %arg2[%dma_wait3A_557, %dma_wait3A_558] : memref<25600x128xi32, #tpu.memory_space<hbm>> -> memref<1x128xi32, #tpu.memory_space<hbm>>
      %dma_wait3A_560 = arith.constant 0 : i32
      %dma_wait3A_561 = arith.constant 0 : i32
      %dma_wait3A_562 = tpu.memref_slice %arg2[%dma_wait3A_560, %dma_wait3A_561] : memref<25600x128xi32, #tpu.memory_space<hbm>> -> memref<1x128xi32, #tpu.memory_space<hbm>>
      tpu.wait_dma2 semaphore(%arg15 : memref<!tpu.dma_semaphore, #tpu.memory_space<semaphore_mem>>) src(%dma_wait3A_562 : memref<1x128xi32, #tpu.memory_space<hbm>>) dst(%arg5 : memref<1x128xi32, #tpu.memory_space<vmem>>)
      %dma_start3A_563 = arith.constant 0 : i32
      %dma_start3A_564 = arith.constant 0 : i32
      %dma_start3A_565 = tpu.memref_slice %arg5[%dma_start3A_563, %dma_start3A_564] : memref<1x128xi32, #tpu.memory_space<vmem>> -> memref<1x128xi32, #tpu.memory_space<vmem>>
      %dma_start3A_566 = tpu.memref_squeeze %dma_start3A_565 : memref<1x128xi32, #tpu.memory_space<vmem>> -> memref<128xi32, #tpu.memory_space<vmem>>
      %dma_start3A_567 = arith.constant 0 : i32
      %dma_start3A_568 = arith.constant 0 : i32
      %dma_start3A_569 = tpu.memref_slice %arg3[%dma_start3A_567, %dma_start3A_568] : memref<8192x128xf32, #tpu.memory_space<hbm>> -> memref<8192x128xf32, #tpu.memory_space<hbm>>
      tpu.enqueue_indirect_dma source(%dma_start3A_569 : memref<8192x128xf32, #tpu.memory_space<hbm>>) target(%arg10 : memref<128x128xf32, #tpu.memory_space<vmem>>) offsets(%dma_start3A_566 : memref<128xi32, #tpu.memory_space<vmem>>) semaphore(%arg20 : memref<!tpu.dma_semaphore, #tpu.memory_space<semaphore_mem>>)
      %add3A_570 = arith.constant 4 : i32
      %add3A_571 = arith.addi %mul3A_398, %add3A_570 : i32
      %dma_wait3A_572 = arith.constant 0 : i32
      %dma_wait3A_573 = arith.constant 0 : i32
      %dma_wait3A_574 = tpu.memref_slice %arg3[%dma_wait3A_572, %dma_wait3A_573] : memref<8192x128xf32, #tpu.memory_space<hbm>> -> memref<128x128xf32, #tpu.memory_space<hbm>>
      %dma_wait3A_575 = arith.constant 0 : i32
      %dma_wait3A_576 = arith.constant 0 : i32
      %dma_wait3A_577 = tpu.memref_slice %arg3[%dma_wait3A_575, %dma_wait3A_576] : memref<8192x128xf32, #tpu.memory_space<hbm>> -> memref<128x128xf32, #tpu.memory_space<hbm>>
      tpu.wait_dma2 semaphore(%arg24 : memref<!tpu.dma_semaphore, #tpu.memory_space<semaphore_mem>>) src(%dma_wait3A_577 : memref<128x128xf32, #tpu.memory_space<hbm>>) dst(%arg14 : memref<128x128xf32, #tpu.memory_space<vmem>>)
      %sub3A_578 = arith.constant 1 : i32
      %sub3A_579 = arith.subi %add3A_571, %sub3A_578 : i32
      %add3A_580 = arith.addi %mul3A_2, %sub3A_579 : i32
      %mul3A_581 = arith.constant 128 : i32
      %mul3A_582 = arith.muli %add3A_580, %mul3A_581 : i32
      %dma_start3A_583 = arith.constant 0 : i32
      %dma_start3A_584 = tpu.memref_slice %arg4[%mul3A_582, %dma_start3A_583] : memref<3276800x128xf32, #tpu.memory_space<hbm>> -> memref<128x128xf32, #tpu.memory_space<hbm>>
      %dma_start3A_585 = arith.constant 0 : i32
      %dma_start3A_586 = tpu.memref_slice %arg4[%mul3A_582, %dma_start3A_585] : memref<3276800x128xf32, #tpu.memory_space<hbm>> -> memref<128x128xf32, #tpu.memory_space<hbm>>
      tpu.enqueue_dma source(%arg13 : memref<128x128xf32, #tpu.memory_space<vmem>>) target(%dma_start3A_586 : memref<128x128xf32, #tpu.memory_space<hbm>>) target_semaphore(%arg28 : memref<!tpu.dma_semaphore, #tpu.memory_space<semaphore_mem>>)
      %add3A_587 = arith.constant 4 : i32
      %add3A_588 = arith.addi %add3A_571, %add3A_587 : i32
      %add3A_589 = arith.addi %mul3A_2, %add3A_588 : i32
      %dma_start3A_590 = arith.constant 0 : i32
      %dma_start3A_591 = tpu.memref_slice %arg2[%add3A_589, %dma_start3A_590] : memref<25600x128xi32, #tpu.memory_space<hbm>> -> memref<1x128xi32, #tpu.memory_space<hbm>>
      %dma_start3A_592 = arith.constant 0 : i32
      %dma_start3A_593 = tpu.memref_slice %arg2[%add3A_589, %dma_start3A_592] : memref<25600x128xi32, #tpu.memory_space<hbm>> -> memref<1x128xi32, #tpu.memory_space<hbm>>
      tpu.enqueue_dma source(%dma_start3A_593 : memref<1x128xi32, #tpu.memory_space<hbm>>) target(%arg8 : memref<1x128xi32, #tpu.memory_space<vmem>>) target_semaphore(%arg18 : memref<!tpu.dma_semaphore, #tpu.memory_space<semaphore_mem>>)
      %dma_wait3A_594 = arith.constant 0 : i32
      %dma_wait3A_595 = arith.constant 0 : i32
      %dma_wait3A_596 = tpu.memref_slice %arg4[%dma_wait3A_594, %dma_wait3A_595] : memref<3276800x128xf32, #tpu.memory_space<hbm>> -> memref<128x128xf32, #tpu.memory_space<hbm>>
      %dma_wait3A_597 = arith.constant 0 : i32
      %dma_wait3A_598 = arith.constant 0 : i32
      %dma_wait3A_599 = tpu.memref_slice %arg4[%dma_wait3A_597, %dma_wait3A_598] : memref<3276800x128xf32, #tpu.memory_space<hbm>> -> memref<128x128xf32, #tpu.memory_space<hbm>>
      tpu.wait_dma2 semaphore(%arg26 : memref<!tpu.dma_semaphore, #tpu.memory_space<semaphore_mem>>) src(%arg11 : memref<128x128xf32, #tpu.memory_space<vmem>>) dst(%dma_wait3A_599 : memref<128x128xf32, #tpu.memory_space<hbm>>)
      %dma_wait3A_600 = arith.constant 0 : i32
      %dma_wait3A_601 = arith.constant 0 : i32
      %dma_wait3A_602 = tpu.memref_slice %arg2[%dma_wait3A_600, %dma_wait3A_601] : memref<25600x128xi32, #tpu.memory_space<hbm>> -> memref<1x128xi32, #tpu.memory_space<hbm>>
      %dma_wait3A_603 = arith.constant 0 : i32
      %dma_wait3A_604 = arith.constant 0 : i32
      %dma_wait3A_605 = tpu.memref_slice %arg2[%dma_wait3A_603, %dma_wait3A_604] : memref<25600x128xi32, #tpu.memory_space<hbm>> -> memref<1x128xi32, #tpu.memory_space<hbm>>
      tpu.wait_dma2 semaphore(%arg16 : memref<!tpu.dma_semaphore, #tpu.memory_space<semaphore_mem>>) src(%dma_wait3A_605 : memref<1x128xi32, #tpu.memory_space<hbm>>) dst(%arg6 : memref<1x128xi32, #tpu.memory_space<vmem>>)
      %dma_start3A_606 = arith.constant 0 : i32
      %dma_start3A_607 = arith.constant 0 : i32
      %dma_start3A_608 = tpu.memref_slice %arg6[%dma_start3A_606, %dma_start3A_607] : memref<1x128xi32, #tpu.memory_space<vmem>> -> memref<1x128xi32, #tpu.memory_space<vmem>>
      %dma_start3A_609 = tpu.memref_squeeze %dma_start3A_608 : memref<1x128xi32, #tpu.memory_space<vmem>> -> memref<128xi32, #tpu.memory_space<vmem>>
      %dma_start3A_610 = arith.constant 0 : i32
      %dma_start3A_611 = arith.constant 0 : i32
      %dma_start3A_612 = tpu.memref_slice %arg3[%dma_start3A_610, %dma_start3A_611] : memref<8192x128xf32, #tpu.memory_space<hbm>> -> memref<8192x128xf32, #tpu.memory_space<hbm>>
      tpu.enqueue_indirect_dma source(%dma_start3A_612 : memref<8192x128xf32, #tpu.memory_space<hbm>>) target(%arg11 : memref<128x128xf32, #tpu.memory_space<vmem>>) offsets(%dma_start3A_609 : memref<128xi32, #tpu.memory_space<vmem>>) semaphore(%arg21 : memref<!tpu.dma_semaphore, #tpu.memory_space<semaphore_mem>>)
    }
    %scan3A_224 = arith.constant 158 : i32
    %dma_wait3A_225 = arith.constant 0 : i32
    %dma_wait3A_226 = arith.constant 0 : i32
    %dma_wait3A_227 = tpu.memref_slice %arg3[%dma_wait3A_225, %dma_wait3A_226] : memref<8192x128xf32, #tpu.memory_space<hbm>> -> memref<128x128xf32, #tpu.memory_space<hbm>>
    %dma_wait3A_228 = arith.constant 0 : i32
    %dma_wait3A_229 = arith.constant 0 : i32
    %dma_wait3A_230 = tpu.memref_slice %arg3[%dma_wait3A_228, %dma_wait3A_229] : memref<8192x128xf32, #tpu.memory_space<hbm>> -> memref<128x128xf32, #tpu.memory_space<hbm>>
    tpu.wait_dma2 semaphore(%arg20 : memref<!tpu.dma_semaphore, #tpu.memory_space<semaphore_mem>>) src(%dma_wait3A_230 : memref<128x128xf32, #tpu.memory_space<hbm>>) dst(%arg10 : memref<128x128xf32, #tpu.memory_space<vmem>>)
    %add3A_231 = arith.constant 794 : i32
    %add3A_232 = arith.addi %mul3A_2, %add3A_231 : i32
    %mul3A_233 = arith.constant 128 : i32
    %mul3A_234 = arith.muli %add3A_232, %mul3A_233 : i32
    %dma_start3A_235 = arith.constant 0 : i32
    %dma_start3A_236 = tpu.memref_slice %arg4[%mul3A_234, %dma_start3A_235] : memref<3276800x128xf32, #tpu.memory_space<hbm>> -> memref<128x128xf32, #tpu.memory_space<hbm>>
    %dma_start3A_237 = arith.constant 0 : i32
    %dma_start3A_238 = tpu.memref_slice %arg4[%mul3A_234, %dma_start3A_237] : memref<3276800x128xf32, #tpu.memory_space<hbm>> -> memref<128x128xf32, #tpu.memory_space<hbm>>
    tpu.enqueue_dma source(%arg14 : memref<128x128xf32, #tpu.memory_space<vmem>>) target(%dma_start3A_238 : memref<128x128xf32, #tpu.memory_space<hbm>>) target_semaphore(%arg29 : memref<!tpu.dma_semaphore, #tpu.memory_space<semaphore_mem>>)
    %add3A_239 = arith.constant 799 : i32
    %add3A_240 = arith.addi %mul3A_2, %add3A_239 : i32
    %dma_start3A_241 = arith.constant 0 : i32
    %dma_start3A_242 = tpu.memref_slice %arg2[%add3A_240, %dma_start3A_241] : memref<25600x128xi32, #tpu.memory_space<hbm>> -> memref<1x128xi32, #tpu.memory_space<hbm>>
    %dma_start3A_243 = arith.constant 0 : i32
    %dma_start3A_244 = tpu.memref_slice %arg2[%add3A_240, %dma_start3A_243] : memref<25600x128xi32, #tpu.memory_space<hbm>> -> memref<1x128xi32, #tpu.memory_space<hbm>>
    tpu.enqueue_dma source(%dma_start3A_244 : memref<1x128xi32, #tpu.memory_space<hbm>>) target(%arg9 : memref<1x128xi32, #tpu.memory_space<vmem>>) target_semaphore(%arg19 : memref<!tpu.dma_semaphore, #tpu.memory_space<semaphore_mem>>)
    %dma_wait3A_245 = arith.constant 0 : i32
    %dma_wait3A_246 = arith.constant 0 : i32
    %dma_wait3A_247 = tpu.memref_slice %arg4[%dma_wait3A_245, %dma_wait3A_246] : memref<3276800x128xf32, #tpu.memory_space<hbm>> -> memref<128x128xf32, #tpu.memory_space<hbm>>
    %dma_wait3A_248 = arith.constant 0 : i32
    %dma_wait3A_249 = arith.constant 0 : i32
    %dma_wait3A_250 = tpu.memref_slice %arg4[%dma_wait3A_248, %dma_wait3A_249] : memref<3276800x128xf32, #tpu.memory_space<hbm>> -> memref<128x128xf32, #tpu.memory_space<hbm>>
    tpu.wait_dma2 semaphore(%arg27 : memref<!tpu.dma_semaphore, #tpu.memory_space<semaphore_mem>>) src(%arg12 : memref<128x128xf32, #tpu.memory_space<vmem>>) dst(%dma_wait3A_250 : memref<128x128xf32, #tpu.memory_space<hbm>>)
    %dma_wait3A_251 = arith.constant 0 : i32
    %dma_wait3A_252 = arith.constant 0 : i32
    %dma_wait3A_253 = tpu.memref_slice %arg2[%dma_wait3A_251, %dma_wait3A_252] : memref<25600x128xi32, #tpu.memory_space<hbm>> -> memref<1x128xi32, #tpu.memory_space<hbm>>
    %dma_wait3A_254 = arith.constant 0 : i32
    %dma_wait3A_255 = arith.constant 0 : i32
    %dma_wait3A_256 = tpu.memref_slice %arg2[%dma_wait3A_254, %dma_wait3A_255] : memref<25600x128xi32, #tpu.memory_space<hbm>> -> memref<1x128xi32, #tpu.memory_space<hbm>>
    tpu.wait_dma2 semaphore(%arg17 : memref<!tpu.dma_semaphore, #tpu.memory_space<semaphore_mem>>) src(%dma_wait3A_256 : memref<1x128xi32, #tpu.memory_space<hbm>>) dst(%arg7 : memref<1x128xi32, #tpu.memory_space<vmem>>)
    %dma_start3A_257 = arith.constant 0 : i32
    %dma_start3A_258 = arith.constant 0 : i32
    %dma_start3A_259 = tpu.memref_slice %arg7[%dma_start3A_257, %dma_start3A_258] : memref<1x128xi32, #tpu.memory_space<vmem>> -> memref<1x128xi32, #tpu.memory_space<vmem>>
    %dma_start3A_260 = tpu.memref_squeeze %dma_start3A_259 : memref<1x128xi32, #tpu.memory_space<vmem>> -> memref<128xi32, #tpu.memory_space<vmem>>
    %dma_start3A_261 = arith.constant 0 : i32
    %dma_start3A_262 = arith.constant 0 : i32
    %dma_start3A_263 = tpu.memref_slice %arg3[%dma_start3A_261, %dma_start3A_262] : memref<8192x128xf32, #tpu.memory_space<hbm>> -> memref<8192x128xf32, #tpu.memory_space<hbm>>
    tpu.enqueue_indirect_dma source(%dma_start3A_263 : memref<8192x128xf32, #tpu.memory_space<hbm>>) target(%arg12 : memref<128x128xf32, #tpu.memory_space<vmem>>) offsets(%dma_start3A_260 : memref<128xi32, #tpu.memory_space<vmem>>) semaphore(%arg22 : memref<!tpu.dma_semaphore, #tpu.memory_space<semaphore_mem>>)
    %dma_wait3A_264 = arith.constant 0 : i32
    %dma_wait3A_265 = arith.constant 0 : i32
    %dma_wait3A_266 = tpu.memref_slice %arg3[%dma_wait3A_264, %dma_wait3A_265] : memref<8192x128xf32, #tpu.memory_space<hbm>> -> memref<128x128xf32, #tpu.memory_space<hbm>>
    %dma_wait3A_267 = arith.constant 0 : i32
    %dma_wait3A_268 = arith.constant 0 : i32
    %dma_wait3A_269 = tpu.memref_slice %arg3[%dma_wait3A_267, %dma_wait3A_268] : memref<8192x128xf32, #tpu.memory_space<hbm>> -> memref<128x128xf32, #tpu.memory_space<hbm>>
    tpu.wait_dma2 semaphore(%arg21 : memref<!tpu.dma_semaphore, #tpu.memory_space<semaphore_mem>>) src(%dma_wait3A_269 : memref<128x128xf32, #tpu.memory_space<hbm>>) dst(%arg11 : memref<128x128xf32, #tpu.memory_space<vmem>>)
    %add3A_270 = arith.constant 795 : i32
    %add3A_271 = arith.addi %mul3A_2, %add3A_270 : i32
    %mul3A_272 = arith.constant 128 : i32
    %mul3A_273 = arith.muli %add3A_271, %mul3A_272 : i32
    %dma_start3A_274 = arith.constant 0 : i32
    %dma_start3A_275 = tpu.memref_slice %arg4[%mul3A_273, %dma_start3A_274] : memref<3276800x128xf32, #tpu.memory_space<hbm>> -> memref<128x128xf32, #tpu.memory_space<hbm>>
    %dma_start3A_276 = arith.constant 0 : i32
    %dma_start3A_277 = tpu.memref_slice %arg4[%mul3A_273, %dma_start3A_276] : memref<3276800x128xf32, #tpu.memory_space<hbm>> -> memref<128x128xf32, #tpu.memory_space<hbm>>
    tpu.enqueue_dma source(%arg10 : memref<128x128xf32, #tpu.memory_space<vmem>>) target(%dma_start3A_277 : memref<128x128xf32, #tpu.memory_space<hbm>>) target_semaphore(%arg25 : memref<!tpu.dma_semaphore, #tpu.memory_space<semaphore_mem>>)
    %dma_wait3A_278 = arith.constant 0 : i32
    %dma_wait3A_279 = arith.constant 0 : i32
    %dma_wait3A_280 = tpu.memref_slice %arg4[%dma_wait3A_278, %dma_wait3A_279] : memref<3276800x128xf32, #tpu.memory_space<hbm>> -> memref<128x128xf32, #tpu.memory_space<hbm>>
    %dma_wait3A_281 = arith.constant 0 : i32
    %dma_wait3A_282 = arith.constant 0 : i32
    %dma_wait3A_283 = tpu.memref_slice %arg4[%dma_wait3A_281, %dma_wait3A_282] : memref<3276800x128xf32, #tpu.memory_space<hbm>> -> memref<128x128xf32, #tpu.memory_space<hbm>>
    tpu.wait_dma2 semaphore(%arg28 : memref<!tpu.dma_semaphore, #tpu.memory_space<semaphore_mem>>) src(%arg13 : memref<128x128xf32, #tpu.memory_space<vmem>>) dst(%dma_wait3A_283 : memref<128x128xf32, #tpu.memory_space<hbm>>)
    %dma_wait3A_284 = arith.constant 0 : i32
    %dma_wait3A_285 = arith.constant 0 : i32
    %dma_wait3A_286 = tpu.memref_slice %arg2[%dma_wait3A_284, %dma_wait3A_285] : memref<25600x128xi32, #tpu.memory_space<hbm>> -> memref<1x128xi32, #tpu.memory_space<hbm>>
    %dma_wait3A_287 = arith.constant 0 : i32
    %dma_wait3A_288 = arith.constant 0 : i32
    %dma_wait3A_289 = tpu.memref_slice %arg2[%dma_wait3A_287, %dma_wait3A_288] : memref<25600x128xi32, #tpu.memory_space<hbm>> -> memref<1x128xi32, #tpu.memory_space<hbm>>
    tpu.wait_dma2 semaphore(%arg18 : memref<!tpu.dma_semaphore, #tpu.memory_space<semaphore_mem>>) src(%dma_wait3A_289 : memref<1x128xi32, #tpu.memory_space<hbm>>) dst(%arg8 : memref<1x128xi32, #tpu.memory_space<vmem>>)
    %dma_start3A_290 = arith.constant 0 : i32
    %dma_start3A_291 = arith.constant 0 : i32
    %dma_start3A_292 = tpu.memref_slice %arg8[%dma_start3A_290, %dma_start3A_291] : memref<1x128xi32, #tpu.memory_space<vmem>> -> memref<1x128xi32, #tpu.memory_space<vmem>>
    %dma_start3A_293 = tpu.memref_squeeze %dma_start3A_292 : memref<1x128xi32, #tpu.memory_space<vmem>> -> memref<128xi32, #tpu.memory_space<vmem>>
    %dma_start3A_294 = arith.constant 0 : i32
    %dma_start3A_295 = arith.constant 0 : i32
    %dma_start3A_296 = tpu.memref_slice %arg3[%dma_start3A_294, %dma_start3A_295] : memref<8192x128xf32, #tpu.memory_space<hbm>> -> memref<8192x128xf32, #tpu.memory_space<hbm>>
    tpu.enqueue_indirect_dma source(%dma_start3A_296 : memref<8192x128xf32, #tpu.memory_space<hbm>>) target(%arg13 : memref<128x128xf32, #tpu.memory_space<vmem>>) offsets(%dma_start3A_293 : memref<128xi32, #tpu.memory_space<vmem>>) semaphore(%arg23 : memref<!tpu.dma_semaphore, #tpu.memory_space<semaphore_mem>>)
    %dma_wait3A_297 = arith.constant 0 : i32
    %dma_wait3A_298 = arith.constant 0 : i32
    %dma_wait3A_299 = tpu.memref_slice %arg3[%dma_wait3A_297, %dma_wait3A_298] : memref<8192x128xf32, #tpu.memory_space<hbm>> -> memref<128x128xf32, #tpu.memory_space<hbm>>
    %dma_wait3A_300 = arith.constant 0 : i32
    %dma_wait3A_301 = arith.constant 0 : i32
    %dma_wait3A_302 = tpu.memref_slice %arg3[%dma_wait3A_300, %dma_wait3A_301] : memref<8192x128xf32, #tpu.memory_space<hbm>> -> memref<128x128xf32, #tpu.memory_space<hbm>>
    tpu.wait_dma2 semaphore(%arg22 : memref<!tpu.dma_semaphore, #tpu.memory_space<semaphore_mem>>) src(%dma_wait3A_302 : memref<128x128xf32, #tpu.memory_space<hbm>>) dst(%arg12 : memref<128x128xf32, #tpu.memory_space<vmem>>)
    %add3A_303 = arith.constant 796 : i32
    %add3A_304 = arith.addi %mul3A_2, %add3A_303 : i32
    %mul3A_305 = arith.constant 128 : i32
    %mul3A_306 = arith.muli %add3A_304, %mul3A_305 : i32
    %dma_start3A_307 = arith.constant 0 : i32
    %dma_start3A_308 = tpu.memref_slice %arg4[%mul3A_306, %dma_start3A_307] : memref<3276800x128xf32, #tpu.memory_space<hbm>> -> memref<128x128xf32, #tpu.memory_space<hbm>>
    %dma_start3A_309 = arith.constant 0 : i32
    %dma_start3A_310 = tpu.memref_slice %arg4[%mul3A_306, %dma_start3A_309] : memref<3276800x128xf32, #tpu.memory_space<hbm>> -> memref<128x128xf32, #tpu.memory_space<hbm>>
    tpu.enqueue_dma source(%arg11 : memref<128x128xf32, #tpu.memory_space<vmem>>) target(%dma_start3A_310 : memref<128x128xf32, #tpu.memory_space<hbm>>) target_semaphore(%arg26 : memref<!tpu.dma_semaphore, #tpu.memory_space<semaphore_mem>>)
    %dma_wait3A_311 = arith.constant 0 : i32
    %dma_wait3A_312 = arith.constant 0 : i32
    %dma_wait3A_313 = tpu.memref_slice %arg4[%dma_wait3A_311, %dma_wait3A_312] : memref<3276800x128xf32, #tpu.memory_space<hbm>> -> memref<128x128xf32, #tpu.memory_space<hbm>>
    %dma_wait3A_314 = arith.constant 0 : i32
    %dma_wait3A_315 = arith.constant 0 : i32
    %dma_wait3A_316 = tpu.memref_slice %arg4[%dma_wait3A_314, %dma_wait3A_315] : memref<3276800x128xf32, #tpu.memory_space<hbm>> -> memref<128x128xf32, #tpu.memory_space<hbm>>
    tpu.wait_dma2 semaphore(%arg29 : memref<!tpu.dma_semaphore, #tpu.memory_space<semaphore_mem>>) src(%arg14 : memref<128x128xf32, #tpu.memory_space<vmem>>) dst(%dma_wait3A_316 : memref<128x128xf32, #tpu.memory_space<hbm>>)
    %dma_wait3A_317 = arith.constant 0 : i32
    %dma_wait3A_318 = arith.constant 0 : i32
    %dma_wait3A_319 = tpu.memref_slice %arg2[%dma_wait3A_317, %dma_wait3A_318] : memref<25600x128xi32, #tpu.memory_space<hbm>> -> memref<1x128xi32, #tpu.memory_space<hbm>>
    %dma_wait3A_320 = arith.constant 0 : i32
    %dma_wait3A_321 = arith.constant 0 : i32
    %dma_wait3A_322 = tpu.memref_slice %arg2[%dma_wait3A_320, %dma_wait3A_321] : memref<25600x128xi32, #tpu.memory_space<hbm>> -> memref<1x128xi32, #tpu.memory_space<hbm>>
    tpu.wait_dma2 semaphore(%arg19 : memref<!tpu.dma_semaphore, #tpu.memory_space<semaphore_mem>>) src(%dma_wait3A_322 : memref<1x128xi32, #tpu.memory_space<hbm>>) dst(%arg9 : memref<1x128xi32, #tpu.memory_space<vmem>>)
    %dma_start3A_323 = arith.constant 0 : i32
    %dma_start3A_324 = arith.constant 0 : i32
    %dma_start3A_325 = tpu.memref_slice %arg9[%dma_start3A_323, %dma_start3A_324] : memref<1x128xi32, #tpu.memory_space<vmem>> -> memref<1x128xi32, #tpu.memory_space<vmem>>
    %dma_start3A_326 = tpu.memref_squeeze %dma_start3A_325 : memref<1x128xi32, #tpu.memory_space<vmem>> -> memref<128xi32, #tpu.memory_space<vmem>>
    %dma_start3A_327 = arith.constant 0 : i32
    %dma_start3A_328 = arith.constant 0 : i32
    %dma_start3A_329 = tpu.memref_slice %arg3[%dma_start3A_327, %dma_start3A_328] : memref<8192x128xf32, #tpu.memory_space<hbm>> -> memref<8192x128xf32, #tpu.memory_space<hbm>>
    tpu.enqueue_indirect_dma source(%dma_start3A_329 : memref<8192x128xf32, #tpu.memory_space<hbm>>) target(%arg14 : memref<128x128xf32, #tpu.memory_space<vmem>>) offsets(%dma_start3A_326 : memref<128xi32, #tpu.memory_space<vmem>>) semaphore(%arg24 : memref<!tpu.dma_semaphore, #tpu.memory_space<semaphore_mem>>)
    %dma_wait3A_330 = arith.constant 0 : i32
    %dma_wait3A_331 = arith.constant 0 : i32
    %dma_wait3A_332 = tpu.memref_slice %arg3[%dma_wait3A_330, %dma_wait3A_331] : memref<8192x128xf32, #tpu.memory_space<hbm>> -> memref<128x128xf32, #tpu.memory_space<hbm>>
    %dma_wait3A_333 = arith.constant 0 : i32
    %dma_wait3A_334 = arith.constant 0 : i32
    %dma_wait3A_335 = tpu.memref_slice %arg3[%dma_wait3A_333, %dma_wait3A_334] : memref<8192x128xf32, #tpu.memory_space<hbm>> -> memref<128x128xf32, #tpu.memory_space<hbm>>
    tpu.wait_dma2 semaphore(%arg23 : memref<!tpu.dma_semaphore, #tpu.memory_space<semaphore_mem>>) src(%dma_wait3A_335 : memref<128x128xf32, #tpu.memory_space<hbm>>) dst(%arg13 : memref<128x128xf32, #tpu.memory_space<vmem>>)
    %add3A_336 = arith.constant 797 : i32
    %add3A_337 = arith.addi %mul3A_2, %add3A_336 : i32
    %mul3A_338 = arith.constant 128 : i32
    %mul3A_339 = arith.muli %add3A_337, %mul3A_338 : i32
    %dma_start3A_340 = arith.constant 0 : i32
    %dma_start3A_341 = tpu.memref_slice %arg4[%mul3A_339, %dma_start3A_340] : memref<3276800x128xf32, #tpu.memory_space<hbm>> -> memref<128x128xf32, #tpu.memory_space<hbm>>
    %dma_start3A_342 = arith.constant 0 : i32
    %dma_start3A_343 = tpu.memref_slice %arg4[%mul3A_339, %dma_start3A_342] : memref<3276800x128xf32, #tpu.memory_space<hbm>> -> memref<128x128xf32, #tpu.memory_space<hbm>>
    tpu.enqueue_dma source(%arg12 : memref<128x128xf32, #tpu.memory_space<vmem>>) target(%dma_start3A_343 : memref<128x128xf32, #tpu.memory_space<hbm>>) target_semaphore(%arg27 : memref<!tpu.dma_semaphore, #tpu.memory_space<semaphore_mem>>)
    %dma_wait3A_344 = arith.constant 0 : i32
    %dma_wait3A_345 = arith.constant 0 : i32
    %dma_wait3A_346 = tpu.memref_slice %arg4[%dma_wait3A_344, %dma_wait3A_345] : memref<3276800x128xf32, #tpu.memory_space<hbm>> -> memref<128x128xf32, #tpu.memory_space<hbm>>
    %dma_wait3A_347 = arith.constant 0 : i32
    %dma_wait3A_348 = arith.constant 0 : i32
    %dma_wait3A_349 = tpu.memref_slice %arg4[%dma_wait3A_347, %dma_wait3A_348] : memref<3276800x128xf32, #tpu.memory_space<hbm>> -> memref<128x128xf32, #tpu.memory_space<hbm>>
    tpu.wait_dma2 semaphore(%arg25 : memref<!tpu.dma_semaphore, #tpu.memory_space<semaphore_mem>>) src(%arg10 : memref<128x128xf32, #tpu.memory_space<vmem>>) dst(%dma_wait3A_349 : memref<128x128xf32, #tpu.memory_space<hbm>>)
    %dma_wait3A_350 = arith.constant 0 : i32
    %dma_wait3A_351 = arith.constant 0 : i32
    %dma_wait3A_352 = tpu.memref_slice %arg3[%dma_wait3A_350, %dma_wait3A_351] : memref<8192x128xf32, #tpu.memory_space<hbm>> -> memref<128x128xf32, #tpu.memory_space<hbm>>
    %dma_wait3A_353 = arith.constant 0 : i32
    %dma_wait3A_354 = arith.constant 0 : i32
    %dma_wait3A_355 = tpu.memref_slice %arg3[%dma_wait3A_353, %dma_wait3A_354] : memref<8192x128xf32, #tpu.memory_space<hbm>> -> memref<128x128xf32, #tpu.memory_space<hbm>>
    tpu.wait_dma2 semaphore(%arg24 : memref<!tpu.dma_semaphore, #tpu.memory_space<semaphore_mem>>) src(%dma_wait3A_355 : memref<128x128xf32, #tpu.memory_space<hbm>>) dst(%arg14 : memref<128x128xf32, #tpu.memory_space<vmem>>)
    %add3A_356 = arith.constant 798 : i32
    %add3A_357 = arith.addi %mul3A_2, %add3A_356 : i32
    %mul3A_358 = arith.constant 128 : i32
    %mul3A_359 = arith.muli %add3A_357, %mul3A_358 : i32
    %dma_start3A_360 = arith.constant 0 : i32
    %dma_start3A_361 = tpu.memref_slice %arg4[%mul3A_359, %dma_start3A_360] : memref<3276800x128xf32, #tpu.memory_space<hbm>> -> memref<128x128xf32, #tpu.memory_space<hbm>>
    %dma_start3A_362 = arith.constant 0 : i32
    %dma_start3A_363 = tpu.memref_slice %arg4[%mul3A_359, %dma_start3A_362] : memref<3276800x128xf32, #tpu.memory_space<hbm>> -> memref<128x128xf32, #tpu.memory_space<hbm>>
    tpu.enqueue_dma source(%arg13 : memref<128x128xf32, #tpu.memory_space<vmem>>) target(%dma_start3A_363 : memref<128x128xf32, #tpu.memory_space<hbm>>) target_semaphore(%arg28 : memref<!tpu.dma_semaphore, #tpu.memory_space<semaphore_mem>>)
    %dma_wait3A_364 = arith.constant 0 : i32
    %dma_wait3A_365 = arith.constant 0 : i32
    %dma_wait3A_366 = tpu.memref_slice %arg4[%dma_wait3A_364, %dma_wait3A_365] : memref<3276800x128xf32, #tpu.memory_space<hbm>> -> memref<128x128xf32, #tpu.memory_space<hbm>>
    %dma_wait3A_367 = arith.constant 0 : i32
    %dma_wait3A_368 = arith.constant 0 : i32
    %dma_wait3A_369 = tpu.memref_slice %arg4[%dma_wait3A_367, %dma_wait3A_368] : memref<3276800x128xf32, #tpu.memory_space<hbm>> -> memref<128x128xf32, #tpu.memory_space<hbm>>
    tpu.wait_dma2 semaphore(%arg26 : memref<!tpu.dma_semaphore, #tpu.memory_space<semaphore_mem>>) src(%arg11 : memref<128x128xf32, #tpu.memory_space<vmem>>) dst(%dma_wait3A_369 : memref<128x128xf32, #tpu.memory_space<hbm>>)
    %add3A_370 = arith.constant 799 : i32
    %add3A_371 = arith.addi %mul3A_2, %add3A_370 : i32
    %mul3A_372 = arith.constant 128 : i32
    %mul3A_373 = arith.muli %add3A_371, %mul3A_372 : i32
    %dma_start3A_374 = arith.constant 0 : i32
    %dma_start3A_375 = tpu.memref_slice %arg4[%mul3A_373, %dma_start3A_374] : memref<3276800x128xf32, #tpu.memory_space<hbm>> -> memref<128x128xf32, #tpu.memory_space<hbm>>
    %dma_start3A_376 = arith.constant 0 : i32
    %dma_start3A_377 = tpu.memref_slice %arg4[%mul3A_373, %dma_start3A_376] : memref<3276800x128xf32, #tpu.memory_space<hbm>> -> memref<128x128xf32, #tpu.memory_space<hbm>>
    tpu.enqueue_dma source(%arg14 : memref<128x128xf32, #tpu.memory_space<vmem>>) target(%dma_start3A_377 : memref<128x128xf32, #tpu.memory_space<hbm>>) target_semaphore(%arg29 : memref<!tpu.dma_semaphore, #tpu.memory_space<semaphore_mem>>)
    %dma_wait3A_378 = arith.constant 0 : i32
    %dma_wait3A_379 = arith.constant 0 : i32
    %dma_wait3A_380 = tpu.memref_slice %arg4[%dma_wait3A_378, %dma_wait3A_379] : memref<3276800x128xf32, #tpu.memory_space<hbm>> -> memref<128x128xf32, #tpu.memory_space<hbm>>
    %dma_wait3A_381 = arith.constant 0 : i32
    %dma_wait3A_382 = arith.constant 0 : i32
    %dma_wait3A_383 = tpu.memref_slice %arg4[%dma_wait3A_381, %dma_wait3A_382] : memref<3276800x128xf32, #tpu.memory_space<hbm>> -> memref<128x128xf32, #tpu.memory_space<hbm>>
    tpu.wait_dma2 semaphore(%arg27 : memref<!tpu.dma_semaphore, #tpu.memory_space<semaphore_mem>>) src(%arg12 : memref<128x128xf32, #tpu.memory_space<vmem>>) dst(%dma_wait3A_383 : memref<128x128xf32, #tpu.memory_space<hbm>>)
    %dma_wait3A_384 = arith.constant 0 : i32
    %dma_wait3A_385 = arith.constant 0 : i32
    %dma_wait3A_386 = tpu.memref_slice %arg4[%dma_wait3A_384, %dma_wait3A_385] : memref<3276800x128xf32, #tpu.memory_space<hbm>> -> memref<128x128xf32, #tpu.memory_space<hbm>>
    %dma_wait3A_387 = arith.constant 0 : i32
    %dma_wait3A_388 = arith.constant 0 : i32
    %dma_wait3A_389 = tpu.memref_slice %arg4[%dma_wait3A_387, %dma_wait3A_388] : memref<3276800x128xf32, #tpu.memory_space<hbm>> -> memref<128x128xf32, #tpu.memory_space<hbm>>
    tpu.wait_dma2 semaphore(%arg28 : memref<!tpu.dma_semaphore, #tpu.memory_space<semaphore_mem>>) src(%arg13 : memref<128x128xf32, #tpu.memory_space<vmem>>) dst(%dma_wait3A_389 : memref<128x128xf32, #tpu.memory_space<hbm>>)
    %dma_wait3A_390 = arith.constant 0 : i32
    %dma_wait3A_391 = arith.constant 0 : i32
    %dma_wait3A_392 = tpu.memref_slice %arg4[%dma_wait3A_390, %dma_wait3A_391] : memref<3276800x128xf32, #tpu.memory_space<hbm>> -> memref<128x128xf32, #tpu.memory_space<hbm>>
    %dma_wait3A_393 = arith.constant 0 : i32
    %dma_wait3A_394 = arith.constant 0 : i32
    %dma_wait3A_395 = tpu.memref_slice %arg4[%dma_wait3A_393, %dma_wait3A_394] : memref<3276800x128xf32, #tpu.memory_space<hbm>> -> memref<128x128xf32, #tpu.memory_space<hbm>>
    tpu.wait_dma2 semaphore(%arg29 : memref<!tpu.dma_semaphore, #tpu.memory_space<semaphore_mem>>) src(%arg14 : memref<128x128xf32, #tpu.memory_space<vmem>>) dst(%dma_wait3A_395 : memref<128x128xf32, #tpu.memory_space<hbm>>)
    return
  }
}

</mosaic_0001>

<sc_bundles>
// kernel: kernel.3.cloned.1.call-start
scs
__scs_entry_jumppad:
0x0: {  	(pc) =	sbr.rel $0x88, $3  }
0x1: {  	(tag) =	ssettag $0x0;
	lr =	simm.s32 $0x1  }
0x2: {  	[smem:$0x3F9F] =	sst lr;
	_ =	strace $0xD0000000  }
0x3: {  	_ = 	snop  }
0x4: {  	_ = 	snop  }
0x5: {  	_ = 	snop  }
0x6: {  	_ = 	snop  }
0x7: {  	_ = 	snop  }
__scs_overlays_trampoline_lowered:
0x8: {  	[smem:$0x3FAE] =	sst s0  }
0x9: {  	[smem:$0x3FAF] =	sst s1  }
0xa: {  	[smem:$0x3FB0] =	sst s2  }
0xb: {  	[smem:$0x3FB1] =	sst s3  }
0xc: {  	[smem:$0x3FB2] =	sst s4  }
0xd: {  	[smem:$0x3FB3] =	sst s5  }
0xe: {  	[smem:$0x3FB4] =	sst s6  }
0xf: {  	[smem:$0x3FB5] =	sst s7  }
0x10: {  	[smem:$0x3FB6] =	sst s8  }
0x11: {  	[smem:$0x3FB7] =	sst s9;
	s0 =	simm.s32 @!p0 $0x0  }
0x12: {  	s1 =	sld [smem:$0x3F9D];
	s0 =	simm.s32 @p0 $0x1  }
0x13: {  	[smem:$0x3FB8] =	sst s0;
	s0 =	simm.s32 @!p1 $0x0  }
0x14: {  	s2 =	sld [smem:$0x3F9C];
	s0 =	simm.s32 @p1 $0x1  }
0x15: {  	[smem:$0x3FB9] =	sst s0;
	s0 =	simm.s32 @!p2 $0x0  }
0x16: {  	s3 =	sld [smem:$0x3FDB];
	s0 =	simm.s32 @p2 $0x1  }
0x17: {  	s4 =	simm.s32 $0x1BF5;
	[smem:$0x3FBB] =	sst s0  }
0x18: {  	s0 =	sld [smem:$0x3F9E];
	_ =	swait.ge [sflag:s4], $0x0  }
0x19: {  	s7 =	sld [smem:$0x3F9F]  }
0x1a: {  	s8 =	sadd.s32 $0xFFFFE003, lr  }
0x1b: {  	s9 =	sadd.s32 $0xFFFFFEF7, lr;
	s5 =	simm.s32 $0xFFFFFFFF;
	p2 =	slt.u32 s8, $0xFFFFF086  }
0x1c: {  	p1 =	slt.u32 s9, $0xF7A;
	s5 =	simm.s32 @!p2 $0x0  }
0x1d: {  	s5 =	simm.s32 @p1 $0x1;
	p0 =	seq.s32 s7, s2  }
0x1e: {  	s7 =	smul.u32 @!p0 $0xF7A, s2;
	p2 =	seq.s32 @!p0 s5, $0x0  }
0x1f: {  	s9 =	smul.u32 $0xF7A, s1;
	s8 =	simm.s32 @!p0 $0x1BF5;
	p2 =	por !p2, p0  }
0x20: {  	[sflag:s8] =	ssyncset.s32 @!p0 $0xFFFFF086;
	s6 =	sadd.s32 @!p0 s3, s7;
	s7 =	simm.s32 @!p0 $0x108  }
0x21: {  	s3 =	sadd.s32 s3, s9;
	s6 =	sadd.s32 @!p0 $0x88, s6;
	s7 =	simm.s32 @p2 $0x1082  }
0x22: {  	[simem:s7], [sflag:s8] =	dma.local @!p0 [hbm:s6], $0xF7A  }
0x23: {  	s9 =	sor.u32 $0xD0000000, s2;
	s6 =	simm.s32 $0x108;
	_ =	swait.ge @!p0 [sflag:s8], $0x0  }
0x24: {  	s3 =	sadd.s32 $0x88, s3;
	s6 =	simm.s32 @!p1 $0x1082;
	[sflag:s4] =	ssyncset.s32 $0xFFFFF086  }
0x25: {  	[simem:s6], [sflag:s4] =	dma.local [hbm:s3], $0xF7A  }
0x26: {  	[smem:$0x3F9F] =	sst s1;
	(tag) =	ssettag s2;
	_ =	strace s9  }
0x27: {  	s1 =	sld [smem:$0x3FAF]  }
0x28: {  	s2 =	sld [smem:$0x3FB0]  }
0x29: {  	s4 =	sld [smem:$0x3FB2]  }
0x2a: {  	p0 =	seq.s32 s5, $0x0;
	s5 =	sld [smem:$0x3FB3]  }
0x2b: {  	s6 =	sld [smem:$0x3FB4]  }
0x2c: {  	s7 =	sld [smem:$0x3FB5]  }
0x2d: {  	s3 =	simm.s32 $0x108;
	s8 =	sld [smem:$0x3FB6]  }
0x2e: {  	s3 =	simm.s32 @!p0 $0x1082;
	s9 =	sld [smem:$0x3FB7]  }
0x2f: {  	lr =	sadd.s32 s0, s3;
	s0 =	sld [smem:$0x3FAE]  }
0x30: {  	s3 =	sld [smem:$0x3FB1]  }
0x31: {  	[smem:$0x3FBA] =	sst s10  }
0x32: {  	s10 =	sld [smem:$0x3FB8];
	_ =	sdelay $0x3  }
0x33: {  	p0 =	seq.s32 s10, $0x1;
	s10 =	sld [smem:$0x3FBA];
	_ =	sdelay $0x3  }
0x34: {  	[smem:$0x3FBA] =	sst s10  }
0x35: {  	s10 =	sld [smem:$0x3FB9];
	_ =	sdelay $0x3  }
0x36: {  	p1 =	seq.s32 s10, $0x1;
	s10 =	sld [smem:$0x3FBA];
	_ =	sdelay $0x3  }
0x37: {  	[smem:$0x3FBA] =	sst s10  }
0x38: {  	s10 =	sld [smem:$0x3FBB]  }
0x39: {  	_ = 	snop;
	(pc) =	sbr.ind lr, $3  }
0x3a: {  	_ = 	snop  }
0x3b: {  	_ = 	snop  }
0x3c: {  	p2 =	seq.s32 s10, $0x1;
	s10 =	sld [smem:$0x3FBA]  }
0x3d: {  	_ =	shalt  }
0x3e: {  	_ =	shalt  }
0x3f: {  	_ =	shalt  }
0x40: {  	_ =	shalt  }
0x41: {  	_ =	shalt  }
0x42: {  	_ =	shalt  }
0x43: {  	_ =	shalt  }
0x44: {  	_ =	shalt  }
0x45: {  	_ =	shalt  }
0x46: {  	_ =	shalt  }
0x47: {  	_ =	shalt  }
0x48: {  	_ =	shalt  }
0x49: {  	_ =	shalt  }
0x4a: {  	_ =	shalt  }
0x4b: {  	_ =	shalt  }
0x4c: {  	_ =	shalt  }
0x4d: {  	_ =	shalt  }
0x4e: {  	_ =	shalt  }
0x4f: {  	_ =	shalt  }
0x50: {  	_ =	shalt  }
0x51: {  	_ =	shalt  }
0x52: {  	_ =	shalt  }
0x53: {  	_ =	shalt  }
0x54: {  	_ =	shalt  }
0x55: {  	_ =	shalt  }
0x56: {  	_ =	shalt  }
0x57: {  	_ =	shalt  }
0x58: {  	_ =	shalt  }
0x59: {  	_ =	shalt  }
0x5a: {  	_ =	shalt  }
0x5b: {  	_ =	shalt  }
0x5c: {  	_ =	shalt  }
0x5d: {  	_ =	shalt  }
0x5e: {  	_ =	shalt  }
0x5f: {  	_ =	shalt  }
0x60: {  	_ =	shalt  }
0x61: {  	_ =	shalt  }
0x62: {  	_ =	shalt  }
0x63: {  	_ =	shalt  }
0x64: {  	_ =	shalt  }
0x65: {  	_ =	shalt  }
0x66: {  	_ =	shalt  }
0x67: {  	_ =	shalt  }
0x68: {  	_ =	shalt  }
0x69: {  	_ =	shalt  }
0x6a: {  	_ =	shalt  }
0x6b: {  	_ =	shalt  }
0x6c: {  	_ =	shalt  }
0x6d: {  	_ =	shalt  }
0x6e: {  	_ =	shalt  }
0x6f: {  	_ =	shalt  }
0x70: {  	_ =	shalt  }
0x71: {  	_ =	shalt  }
0x72: {  	_ =	shalt  }
0x73: {  	_ =	shalt  }
0x74: {  	_ =	shalt  }
0x75: {  	_ =	shalt  }
0x76: {  	_ =	shalt  }
0x77: {  	_ =	shalt  }
0x78: {  	_ =	shalt  }
0x79: {  	_ =	shalt  }
0x7a: {  	_ =	shalt  }
0x7b: {  	_ =	shalt  }
0x7c: {  	_ =	shalt  }
0x7d: {  	_ =	shalt  }
0x7e: {  	_ =	shalt  }
0x7f: {  	_ =	shalt  }
0x80: {  	_ =	shalt  }
0x81: {  	_ =	shalt  }
0x82: {  	_ =	shalt  }
0x83: {  	_ =	shalt  }
0x84: {  	_ =	shalt  }
0x85: {  	_ =	shalt  }
0x86: {  	_ =	shalt  }
0x87: {  	_ =	shalt  }
.Lfunc_end0:
.L_simem_size_0:
called_computation_lowered:
.L_overlay_start_0:
0x88: {  	s2 =	sld [smem:$0x3FD9]  }
0x89: {  	s3 =	sld [smem:$0x3FFE];
	_ =	sdelay $0x1  }
0x8a: {  	s1 =	srdreg.scid  }
0x8b: {  	s0 =	sand.u32 $0x1, s1  }
0x8c: {  	s17 =	sshll.u32 s0, $0xA;
	s2 =	sadd.s32 s3, s2  }
0x8d: {  	s2 =	sadd.s32 s2, s17  }
0x8e: {  	[smem:$0x3FC6] =	sst s2  }
0x8f: {  	_ = 	snop  }
0x90: {  	s2 =	sld [smem:$0x3FC8]  }
0x91: {  	s18 =	sld [smem:$0x3FD0];
	(tm) =	ssettm $0x1  }
0x92: {  	s4 =	sld [smem:$0x3FFB];
	_ =	sdelay $0x3  }
0x93: {  	_ =	strace s4  }
0x94: {  	s4 =	sld [smem:$0x3FFC];
	_ =	sdelay $0x3  }
0x95: {  	_ =	strace s4  }
0x96: {  	s4 =	sld [smem:$0x3FFD];
	_ =	sdelay $0x3  }
0x97: {  	_ =	strace s4  }
0x98: {  	_ =	strace $0x8FFFFFFF  }
0x99: {  	s19 =	sld [smem:$0x3FDB];
	_ =	sdelay $0x1  }
0x9a: {  	s5 =	simm.s32 $_scs_section_size  }
0x9b: {  	s6 =	simm.s32 $_size__tile_overlayer_lowered;
	s7 =	simm.s32 $_tile_overlayer_lowered  }
0x9c: {  	s22 =	simm.s32 $0x1BFF;
	s21 =	sshll.u32 s7, $0x1;
	s4 =	sadd.s32 s5, s19  }
0x9d: {  	s8 =	simm.s32 $0x0;
	s20 =	sshll.u32 s6, $0x1;
	s6 =	sadd.s32 s21, s4  }
0x9e: {  	[timem:s8], [sflag:s22] =	dma.local [hbm:s6], s20  }
0x9f: {  	_ =	swait.ge [sflag:s22], s20  }
0xa0: {  	s5 =	ssub.s32 $0x0, s20;
	[sflag:s22] =	ssyncset.done $0x0  }
0xa1: {  	[sflag:s22] =	ssyncadd.s32 s5;
	_ =	sdelay $0x1  }
0xa2: {  	s23 =	simm.s32 $0x1B8B  }
0xa3: {  	_ =	swait.ge [sflag:s23], $0x1  }
0xa4: {  	[sflag:s23] =	ssyncset.done $0x0  }
0xa5: {  	s25 =	simm.s32 $0x1B8E;
	s24 =	sld [smem:$0x3FFE];
	[sflag:s23] =	ssyncadd.s32 $0xFFFFFFFF  }
0xa6: {  	s26 =	simm.s32 $execute0_lowered;
	[smem:$0x3FD2] =	sst s25  }
0xa7: {  	s6 =	sshll.u32 s26, $0x1;
	_ =	strace $0x80000046;
	[dreg:$0x1] =	wrdreg $0xFFFFFFFF  }
0xa8: {  	s28 =	simm.s32 $_size_execute0_lowered;
	s4 =	sadd.s32 s4, s6;
	[dreg:$0x0] =	wrdreg $0x0  }
0xa9: {  	s6 =	sshll.u32 s28, $0x1;
	[dreg:$0x2] =	wrdreg s4  }
0xaa: {  	[dreg:$0x3] =	wrdreg s6  }
0xab: {  	[dreg:$0x4] =	wrdreg $0xC0  }
0xac: {  	_ =	task [dreg:s8], $0x5FFFF  }
0xad: {  	[dreg:$0x1] =	wrdreg $0xFFFFFFFF  }
0xae: {  	[dreg:$0x0] =	wrdreg $0x60  }
0xaf: {  	[dreg:$0x2] =	wrdreg s24  }
0xb0: {  	[dreg:$0x3] =	wrdreg s2  }
0xb1: {  	[dreg:$0x4] =	wrdreg s18  }
0xb2: {  	[dreg:$0x5] =	wrdreg $0x9  }
0xb3: {  	_ =	task.clear_ibuf [dreg:s8], $0x6FFFF;
	_ =	strace $0x90000046  }
0xb4: {  	s29 =	simm.s32 $0x9;
	_ =	strace $0x80000048  }
0xb5: {  	_ =	swait.ge [sflag:s29], $0x1  }
0xb6: {  	[sflag:s29] =	ssyncadd.s32 $0xFFFFFFFF  }
0xb7: {  	_ =	strace $0x90000048  }
0xb8: {  	_ =	sfence  }
0xb9: {  	s30 =	sld [smem:$0x0];
	_ =	sdelay $0x2  }
0xba: {  	s31 =	sshll.u32 s1, $0xD;
	s1 =	sshrl.u32 s1, $0x2  }
0xbb: {  	s3 =	sand.u32 $0x4000, s31;
	s1 =	sadd.s32 s1, s30  }
0xbc: {  	s0 =	sor.u32 s3, s0;
	s1 =	sshll.u32 s1, $0x11  }
0xbd: {  	s0 =	sor.u32 s1, s0  }
0xbe: {  	s0 =	sadd.s32 $0x8F2B, s0  }
0xbf: {  	[sflag:s0] =	ssyncadd.remote.s32 $0x1  }
0xc0: {  	_ =	sfence.sel $0xFFFF  }
0xc1: {  	[dreg:$0x0] =	wrdreg $0xFFFFFFFF;
	(pc) =	sbr.abs _section_cstart, $3  }
0xc2: {  	[dreg:$0x1] =	wrdreg $0xFFFFFFFF  }
0xc3: {  	_ =	task.clear_ibuf [dreg:s8], $0x2FFFF;
	_ =	strace $0x9FFFFFFF  }
0xc4: {  	(tm) =	ssettm $0x7FFFFFFF  }
0xc5: {  	_ =	shalt  }
tec
execute0_lowered:
.L_overlay_start_1:
0x0: {  	(tag) =	ssettag $0x1  }
0x1: {  	s0 =	rddreg [dreg:$0x0];
	s11 =	stileid.u32  }
0x2: {  	s2 =	rddreg [dreg:$0x1];
	s14 =	smul.u32 $0x32000, s11  }
0x3: {  	s4 =	srdreg.scid;
	s18 =	smul.u32 $0x640, s11  }
0x4: {  	s5 =	sand.u32 $0x1, s4;
	s24 =	sshll.u32 s11, $0x1;
	s11 =	smul.u32 $0x6400, s11  }
0x5: {  	s1 =	rddreg [dreg:$0x2];
	s3 =	simm.s32 $0x0;
	s17 =	smul.u32 $0x19000, s5  }
0x6: {  	[smem:$0x7FF] =	sst s3;
	s19 =	smul.u32 $0x320, s5  }
0x7: {  	s6 =	sor.u32 s5, s24;
	s7 =	ssub.s32 $0x2, s5;
	s5 =	smul.u32 $0x3200, s5  }
0x8: {  	s4 =	sadd.s32 $0x400, s0;
	s25 =	sshrl.u32 s7, $0x1;
	s26 =	smul.u32 $0x190000, s6  }
0x9: {  	_ =	strace $0x80000047;
	s0 =	ssub.s32 s7, s25;
	s5 =	sadd.s32 s5, s11  }
0xa: {  	s7 =	sadd.s32 s17, s14;
	s10 =	sadd.s32 s1, s26;
	[dreg:$0x5] =	wrdreg s5  }
0xb: {  	s8 =	smul.u32 $0x3200, s6;
	s7 =	sor.u32 $0x680, s7;
	[dreg:$0xb] =	wrdreg s10  }
0xc: {  	s0 =	smax.u32 s0, $0x1;
	[dreg:$0x4] =	wrdreg s7  }
0xd: {  	s12 =	sadd.s32 s4, s8;
	[dreg:$0x19] =	wrdreg s0  }
0xe: {  	s8 =	sadd.s32 $0x10, s12;
	[dreg:$0x6] =	wrdreg s12  }
0xf: {  	s28 =	simm.s32 $0x80;
	s29 =	sadd.s32 $0x20, s12;
	[dreg:$0x7] =	wrdreg s8  }
0x10: {  	s9 =	smul.u32 $0x320, s6;
	s30 =	sadd.s32 $0x30, s12;
	[dreg:$0x8] =	wrdreg s29  }
0x11: {  	s6 =	smul.u32 $0xC80000, s6;
	s31 =	sadd.s32 $0x40, s12;
	[dreg:$0x9] =	wrdreg s30  }
0x12: {  	s21 =	sadd.s32 s19, s18;
	s13 =	sadd.s32 $0x800, s10;
	[dreg:$0xa] =	wrdreg s31  }
0x13: {  	s18 =	simm.s32 $0x9;
	s15 =	sadd.s32 $0x60, s12;
	[dreg:$0xd] =	wrdreg s13  }
0x14: {  	s19 =	simm.s32 $0xB;
	s16 =	sadd.s32 $0x1000, s10;
	[dreg:$0xe] =	wrdreg s15  }
0x15: {  	s6 =	sshrl.u32 s6, $0x3;
	s10 =	sadd.s32 $0x1800, s10;
	[dreg:$0xf] =	wrdreg s16  }
0x16: {  	s9 =	sadd.s32 $0x31F, s9;
	s8 =	sadd.s32 $0x50, s12;
	[dreg:$0x11] =	wrdreg s10  }
0x17: {  	s6 =	sadd.s32 s1, s6;
	s13 =	sadd.s32 $0x70, s12;
	[dreg:$0xc] =	wrdreg s8  }
0x18: {  	s22 =	sshll.u32 s9, $0x4;
	s20 =	sadd.s32 $0x18D000, s6;
	[dreg:$0x10] =	wrdreg s13  }
0x19: {  	s23 =	sshll.u32 s9, $0xB;
	s24 =	sadd.s32 $0x18D800, s6;
	[dreg:$0x12] =	wrdreg s20  }
0x1a: {  	s7 =	sshll.u32 s21, $0xB;
	s25 =	sadd.s32 $0x18E000, s6;
	[dreg:$0x14] =	wrdreg s24  }
0x1b: {  	s21 =	simm.s32 $0xC;
	s26 =	sadd.s32 $0x18E800, s6;
	[dreg:$0x16] =	wrdreg s25  }
0x1c: {  	s0 =	simm.s32 $0x0;
	s29 =	sadd.s32 $0x18F000, s6;
	[dreg:$0x17] =	wrdreg s26  }
0x1d: {  	s31 =	sadd.s32 $0x80, s12;
	s16 =	simm.s32 $0x5;
	[dreg:$0x18] =	wrdreg s29  }
0x1e: {  	s8 =	sadd.s32 s4, s22;
	[dreg:$0x1b] =	wrdreg s31;
	s20 =	simm.s32 $0xA  }
0x1f: {  	[dreg:$0x13] =	wrdreg s8;
	s8 =	sadd.s32 s1, s23;
	s1 =	sadd.s32 s7, s1  }
0x20: {  	s22 =	simm.s32 $0xD;
	[dreg:$0x15] =	wrdreg s8;
	s30 =	sadd.s32 $0x4000, s1  }
0x21: {  	s24 =	simm.s32 $0xF;
	s23 =	simm.s32 $0xE;
	[dreg:$0x1a] =	wrdreg s30  }
.LBB2_1:
0x22: {  	[dreg:$0x1c] =	wrdreg s0  }
0x23: {  	s1 =	rddreg [dreg:$0x6]  }
0x24: {  	[tilespmem:s3], [sflag:$0x1] =	stream.linear.gather [hbm4b:s1+s3], $0x80, $0x38;
	[tilespmem:$0x14280] =	vst v63  }
0x25: {  	s11 =	rddreg [dreg:$0x7]  }
0x26: {  	[tilespmem:s28], [sflag:$0x2] =	stream.linear.gather [hbm4b:s11+s3], $0x80, $0x38;
	[tilespmem:$0x14280] =	vst v63  }
0x27: {  	s12 =	rddreg [dreg:$0x8];
	s7 =	simm.s32 $0x100  }
0x28: {  	[tilespmem:s7], [sflag:$0x3] =	stream.linear.gather [hbm4b:s12+s3], $0x80, $0x38;
	[tilespmem:$0x14280] =	vst v63  }
0x29: {  	s13 =	rddreg [dreg:$0x9];
	s11 =	simm.s32 $0x180  }
0x2a: {  	[tilespmem:s11], [sflag:$0x4] =	stream.linear.gather [hbm4b:s13+s3], $0x80, $0x38;
	[tilespmem:$0x14280] =	vst v63  }
0x2b: {  	s14 =	rddreg [dreg:$0xa];
	s0 =	simm.s32 $0x200;
	s5 =	simm.s32 $0x1  }
0x2c: {  	[tilespmem:s0], [sflag:$0x5] =	stream.linear.gather [hbm4b:s14+s3], $0x80, $0x38;
	[tilespmem:$0x14280] =	vst v63  }
0x2d: {  	_ =	swait.ge [sflag:s5], $0x80  }
0x2e: {  	[sflag:s5] =	ssyncset.done $0x0  }
0x2f: {  	s6 =	simm.s32 $0x280;
	s8 =	simm.s32 $0x2;
	[sflag:s5] =	ssyncadd.s32 $0xFFFFFF80  }
0x30: {  	[tilespmem:s6], [sflag:$0x6] =	stream.indirect.gather [hbm4b:s2+s28], $0x80, s3, s28, $0xb8;
	[tilespmem:$0x14280] =	vst v63  }
0x31: {  	_ =	swait.ge [sflag:s8], $0x80  }
0x32: {  	[sflag:s8] =	ssyncset.done $0x0  }
0x33: {  	s9 =	simm.s32 $0x6;
	s14 =	simm.s32 $0x4280;
	[sflag:s8] =	ssyncadd.s32 $0xFFFFFF80  }
0x34: {  	[tilespmem:s14], [sflag:$0x7] =	stream.indirect.gather [hbm4b:s2+s28], $0x80, s28, s28, $0xb8;
	[tilespmem:$0x14280] =	vst v63  }
0x35: {  	_ =	swait.ge [sflag:s9], $0x4000  }
0x36: {  	[sflag:s9] =	ssyncset.done $0x0  }
0x37: {  	s17 =	simm.s32 $0x3;
	[sflag:s9] =	ssyncadd.s32 $0xFFFFC000  }
0x38: {  	_ =	swait.ge [sflag:s17], $0x80  }
0x39: {  	[sflag:s17] =	ssyncset.done $0x0  }
0x3a: {  	s25 =	simm.s32 $0x7;
	s12 =	simm.s32 $0x8280;
	[sflag:s17] =	ssyncadd.s32 $0xFFFFFF80  }
0x3b: {  	[tilespmem:s12], [sflag:$0x8] =	stream.indirect.gather [hbm4b:s2+s28], $0x80, s7, s28, $0xb8;
	[tilespmem:$0x14280] =	vst v63  }
0x3c: {  	_ =	swait.ge [sflag:s25], $0x4000  }
0x3d: {  	[sflag:s25] =	ssyncset.done $0x0  }
0x3e: {  	s15 =	rddreg [dreg:$0xb];
	[sflag:s25] =	ssyncadd.s32 $0xFFFFC000  }
0x3f: {  	[hbm4b:s15+s3] =	stream.linear.scatter [tilespmem:s6], [sflag:$0xB], $0x4000, $0x38;
	[tilespmem:$0x14280] =	vst v63  }
0x40: {  	s26 =	rddreg [dreg:$0xc]  }
0x41: {  	[tilespmem:s3], [sflag:$0x1] =	stream.linear.gather [hbm4b:s26+s3], $0x80, $0x38;
	[tilespmem:$0x14280] =	vst v63  }
0x42: {  	s26 =	simm.s32 $0x4  }
0x43: {  	_ =	swait.ge [sflag:s26], $0x80  }
0x44: {  	[sflag:s26] =	ssyncset.done $0x0  }
0x45: {  	s29 =	simm.s32 $0x8;
	s13 =	simm.s32 $0xC280;
	[sflag:s26] =	ssyncadd.s32 $0xFFFFFF80  }
0x46: {  	[tilespmem:s13], [sflag:$0x9] =	stream.indirect.gather [hbm4b:s2+s28], $0x80, s11, s28, $0xb8;
	[tilespmem:$0x14280] =	vst v63  }
0x47: {  	_ =	swait.ge [sflag:s29], $0x4000  }
0x48: {  	[sflag:s29] =	ssyncset.done $0x0  }
0x49: {  	s10 =	rddreg [dreg:$0xd];
	[sflag:s29] =	ssyncadd.s32 $0xFFFFC000  }
0x4a: {  	[hbm4b:s10+s3] =	stream.linear.scatter [tilespmem:s14], [sflag:$0xC], $0x4000, $0x38;
	[tilespmem:$0x14280] =	vst v63  }
0x4b: {  	s15 =	rddreg [dreg:$0xe]  }
0x4c: {  	[tilespmem:s28], [sflag:$0x2] =	stream.linear.gather [hbm4b:s15+s3], $0x80, $0x38;
	[tilespmem:$0x14280] =	vst v63  }
0x4d: {  	_ =	swait.ge [sflag:s16], $0x80  }
0x4e: {  	[sflag:s16] =	ssyncset.done $0x0  }
0x4f: {  	s15 =	simm.s32 $0x10280;
	[sflag:s16] =	ssyncadd.s32 $0xFFFFFF80  }
0x50: {  	[tilespmem:s15], [sflag:$0xA] =	stream.indirect.gather [hbm4b:s2+s28], $0x80, s0, s28, $0xb8;
	[tilespmem:$0x14280] =	vst v63  }
0x51: {  	_ =	swait.ge [sflag:s18], $0x4000  }
0x52: {  	[sflag:s18] =	ssyncset.done $0x0  }
0x53: {  	s10 =	rddreg [dreg:$0xf];
	[sflag:s18] =	ssyncadd.s32 $0xFFFFC000  }
0x54: {  	[hbm4b:s10+s3] =	stream.linear.scatter [tilespmem:s12], [sflag:$0xD], $0x4000, $0x38;
	[tilespmem:$0x14280] =	vst v63  }
0x55: {  	s10 =	rddreg [dreg:$0x10]  }
0x56: {  	[tilespmem:s7], [sflag:$0x3] =	stream.linear.gather [hbm4b:s10+s3], $0x80, $0x38;
	[tilespmem:$0x14280] =	vst v63  }
0x57: {  	_ =	swait.ge [sflag:s19], $0x4000  }
0x58: {  	[sflag:s19] =	ssyncset.done $0x0  }
0x59: {  	[sflag:s19] =	ssyncadd.s32 $0xFFFFC000  }
0x5a: {  	_ =	swait.ge [sflag:s5], $0x80  }
0x5b: {  	[sflag:s5] =	ssyncset.done $0x0  }
0x5c: {  	[sflag:s5] =	ssyncadd.s32 $0xFFFFFF80  }
0x5d: {  	[tilespmem:s6], [sflag:$0x6] =	stream.indirect.gather [hbm4b:s2+s28], $0x80, s3, s28, $0xb8;
	[tilespmem:$0x14280] =	vst v63  }
0x5e: {  	_ =	swait.ge [sflag:s20], $0x4000  }
0x5f: {  	[sflag:s20] =	ssyncset.done $0x0  }
0x60: {  	s10 =	rddreg [dreg:$0x11];
	[sflag:s20] =	ssyncadd.s32 $0xFFFFC000  }
0x61: {  	[hbm4b:s10+s3] =	stream.linear.scatter [tilespmem:s13], [sflag:$0xE], $0x4000, $0x38;
	[tilespmem:$0x14280] =	vst v63  }
0x62: {  	s5 =	rddreg [dreg:$0x1b]  }
0x63: {  	[tilespmem:s11], [sflag:$0x4] =	stream.linear.gather [hbm4b:s5+s3], $0x80, $0x38;
	[tilespmem:$0x14280] =	vst v63  }
0x64: {  	_ =	swait.ge [sflag:s21], $0x4000  }
0x65: {  	[sflag:s21] =	ssyncset.done $0x0  }
0x66: {  	[sflag:s21] =	ssyncadd.s32 $0xFFFFC000  }
0x67: {  	_ =	swait.ge [sflag:s8], $0x80  }
0x68: {  	[sflag:s8] =	ssyncset.done $0x0  }
0x69: {  	[sflag:s8] =	ssyncadd.s32 $0xFFFFFF80  }
0x6a: {  	[tilespmem:s14], [sflag:$0x7] =	stream.indirect.gather [hbm4b:s2+s28], $0x80, s28, s28, $0xb8;
	[tilespmem:$0x14280] =	vst v63  }
0x6b: {  	_ =	swait.ge [sflag:s9], $0x4000  }
0x6c: {  	s5 =	rddreg [dreg:$0x5]  }
0x6d: {  	s8 =	simm.s32 $0x90;
	[sflag:s9] =	ssyncset.done $0x0;
	s1 =	rddreg [dreg:$0x1a]  }
0x6e: {  	s10 =	sadd.s32 $0xFFFFE000, s1;
	[sflag:s9] =	ssyncadd.s32 $0xFFFFC000;
	s30 =	sadd.s32 $0xC0, s5  }
0x6f: {  	[hbm4b:s10+s3] =	stream.linear.scatter [tilespmem:s15], [sflag:$0xF], $0x4000, $0x38;
	[tilespmem:$0x14280] =	vst v63  }
0x70: {  	s9 =	sand.u32 $0x70, s8;
	s15 =	sadd.s32 $0xFFFFFFD0, s30  }
0x71: {  	s5 =	sadd.s32 s4, s9;
	s10 =	sand.u32 $0xFFFFF80, s15  }
0x72: {  	s5 =	sadd.s32 s10, s5  }
0x73: {  	[tilespmem:s0], [sflag:$0x5] =	stream.linear.gather [hbm4b:s5+s3], $0x80, $0x38;
	[tilespmem:$0x14280] =	vst v63  }
0x74: {  	_ =	swait.ge [sflag:s22], $0x4000  }
0x75: {  	[sflag:s22] =	ssyncset.done $0x0  }
0x76: {  	[sflag:s22] =	ssyncadd.s32 $0xFFFFC000  }
0x77: {  	_ =	swait.ge [sflag:s17], $0x80  }
0x78: {  	[sflag:s17] =	ssyncset.done $0x0  }
0x79: {  	[sflag:s17] =	ssyncadd.s32 $0xFFFFFF80  }
0x7a: {  	[tilespmem:s12], [sflag:$0x8] =	stream.indirect.gather [hbm4b:s2+s28], $0x80, s7, s28, $0xb8;
	[tilespmem:$0x14280] =	vst v63  }
0x7b: {  	s8 =	simm.s32 $0xA0;
	s9 =	sadd.s32 $0xFFFFFFE0, s30;
	_ =	swait.ge [sflag:s25], $0x4000  }
0x7c: {  	s10 =	sand.u32 $0xFFFFF80, s9;
	s5 =	sand.u32 $0x70, s8;
	[sflag:s25] =	ssyncset.done $0x0  }
0x7d: {  	s5 =	sadd.s32 s4, s5;
	s12 =	sadd.s32 $0xFFFFE800, s1;
	[sflag:s25] =	ssyncadd.s32 $0xFFFFC000  }
0x7e: {  	[hbm4b:s12+s3] =	stream.linear.scatter [tilespmem:s6], [sflag:$0xB], $0x4000, $0x38;
	[tilespmem:$0x14280] =	vst v63  }
0x7f: {  	s5 =	sadd.s32 s10, s5  }
0x80: {  	[tilespmem:s3], [sflag:$0x1] =	stream.linear.gather [hbm4b:s5+s3], $0x80, $0x38;
	[tilespmem:$0x14280] =	vst v63  }
0x81: {  	_ =	swait.ge [sflag:s23], $0x4000  }
0x82: {  	[sflag:s23] =	ssyncset.done $0x0  }
0x83: {  	[sflag:s23] =	ssyncadd.s32 $0xFFFFC000  }
0x84: {  	_ =	swait.ge [sflag:s26], $0x80  }
0x85: {  	s15 =	simm.s32 $0xB0;
	[sflag:s26] =	ssyncset.done $0x0  }
0x86: {  	s17 =	sadd.s32 $0xFFFFFFF0, s30;
	s5 =	sand.u32 $0x70, s15;
	[sflag:s26] =	ssyncadd.s32 $0xFFFFFF80  }
0x87: {  	[tilespmem:s13], [sflag:$0x9] =	stream.indirect.gather [hbm4b:s2+s28], $0x80, s11, s28, $0xb8;
	[tilespmem:$0x14280] =	vst v63  }
0x88: {  	s25 =	sand.u32 $0xFFFFF80, s17;
	s5 =	sadd.s32 s4, s5;
	_ =	swait.ge [sflag:s29], $0x4000  }
0x89: {  	s10 =	simm.s32 $0xC0;
	s31 =	sadd.s32 s25, s5;
	[sflag:s29] =	ssyncset.done $0x0  }
0x8a: {  	s25 =	smov.u32 s1;
	s26 =	sadd.s32 $0xFFFFF000, s1;
	[sflag:s29] =	ssyncadd.s32 $0xFFFFC000  }
0x8b: {  	[hbm4b:s26+s3] =	stream.linear.scatter [tilespmem:s14], [sflag:$0xC], $0x4000, $0x38;
	[tilespmem:$0x14280] =	vst v63  }
0x8c: {  	s5 =	simm.s32 $0x0;
	s29 =	smov.u32 s1;
	s26 =	simm.s32 $0x110  }
.LBB2_2:
0x8d: {  	[tilespmem:s28], [sflag:$0x2] =	stream.linear.gather [hbm4b:s31+s3], $0x80, $0x38;
	[tilespmem:$0x14280] =	vst v63  }
0x8e: {  	_ =	swait.ge [sflag:s24], $0x4000  }
0x8f: {  	[sflag:s24] =	ssyncset.done $0x0  }
0x90: {  	[sflag:s24] =	ssyncadd.s32 $0xFFFFC000  }
0x91: {  	_ =	swait.ge [sflag:s16], $0x80  }
0x92: {  	s1 =	sadd.s32 $0xFFFFFFF0, s26;
	[sflag:s16] =	ssyncset.done $0x0  }
0x93: {  	s6 =	simm.s32 $0x200;
	s15 =	simm.s32 $0x10280;
	[sflag:s16] =	ssyncadd.s32 $0xFFFFFF80  }
0x94: {  	[tilespmem:s15], [sflag:$0xA] =	stream.indirect.gather [hbm4b:s2+s28], $0x80, s6, s28, $0xb8;
	[tilespmem:$0x14280] =	vst v63  }
0x95: {  	s14 =	sand.u32 $0x70, s10;
	s17 =	sand.u32 $0xFFFFF80, s30;
	_ =	swait.ge [sflag:s18], $0x4000  }
0x96: {  	s0 =	sadd.s32 $0xFFFFF800, s25;
	s12 =	simm.s32 $0x8280;
	[sflag:s18] =	ssyncset.done $0x0  }
0x97: {  	s31 =	sand.u32 $0x70, s1;
	s1 =	sadd.s32 s4, s14;
	[sflag:s18] =	ssyncadd.s32 $0xFFFFC000  }
0x98: {  	[hbm4b:s0+s3] =	stream.linear.scatter [tilespmem:s12], [sflag:$0xD], $0x4000, $0x38;
	[tilespmem:$0x14280] =	vst v63  }
0x99: {  	s1 =	sadd.s32 s17, s1;
	s17 =	simm.s32 $0x100  }
0x9a: {  	[tilespmem:s17], [sflag:$0x3] =	stream.linear.gather [hbm4b:s1+s3], $0x80, $0x38;
	[tilespmem:$0x14280] =	vst v63  }
0x9b: {  	_ =	swait.ge [sflag:s19], $0x4000  }
0x9c: {  	[sflag:s19] =	ssyncset.done $0x0  }
0x9d: {  	s0 =	simm.s32 $0x1;
	[sflag:s19] =	ssyncadd.s32 $0xFFFFC000  }
0x9e: {  	_ =	swait.ge [sflag:s0], $0x80  }
0x9f: {  	[sflag:s0] =	ssyncset.done $0x0  }
0xa0: {  	s8 =	simm.s32 $0x280;
	[sflag:s0] =	ssyncadd.s32 $0xFFFFFF80  }
0xa1: {  	[tilespmem:s8], [sflag:$0x6] =	stream.indirect.gather [hbm4b:s2+s28], $0x80, s3, s28, $0xb8;
	[tilespmem:$0x14280] =	vst v63  }
0xa2: {  	s7 =	smov.u32 s26;
	_ =	swait.ge [sflag:s20], $0x4000  }
0xa3: {  	s13 =	simm.s32 $0xC280;
	s10 =	smov.u32 s7;
	s7 =	rddreg [dreg:$0x4]  }
0xa4: {  	[sflag:s20] =	ssyncset.done $0x0;
	s1 =	sadd.s32 s5, s7;
	s5 =	sadd.s32 $0x280, s5  }
0xa5: {  	[sflag:s20] =	ssyncadd.s32 $0xFFFFC000;
	s1 =	sand.u32 $0x7FFFFC00, s1;
	s9 =	sand.u32 $0x380, s5  }
0xa6: {  	[hbm4b:s25+s3] =	stream.linear.scatter [tilespmem:s13], [sflag:$0xE], $0x4000, $0x38;
	[tilespmem:$0x14280] =	vst v63  }
0xa7: {  	s1 =	sor.u32 s9, s1  }
0xa8: {  	s1 =	sshrl.u32 s1, $0x3  }
0xa9: {  	s0 =	simm.s32 $0x180;
	s1 =	sadd.s32 s4, s1  }
0xaa: {  	[tilespmem:s0], [sflag:$0x4] =	stream.linear.gather [hbm4b:s1+s3], $0x80, $0x38;
	[tilespmem:$0x14280] =	vst v63  }
0xab: {  	_ =	swait.ge [sflag:s21], $0x4000  }
0xac: {  	s11 =	sadd.s32 $0xFFFFFFD0, s10;
	[sflag:s21] =	ssyncset.done $0x0  }
0xad: {  	s1 =	sand.u32 $0x70, s11;
	s11 =	simm.s32 $0x2;
	[sflag:s21] =	ssyncadd.s32 $0xFFFFC000  }
0xae: {  	_ =	swait.ge [sflag:s11], $0x80  }
0xaf: {  	[sflag:s11] =	ssyncset.done $0x0  }
0xb0: {  	s14 =	simm.s32 $0x6;
	s9 =	simm.s32 $0x4280;
	[sflag:s11] =	ssyncadd.s32 $0xFFFFFF80  }
0xb1: {  	[tilespmem:s9], [sflag:$0x7] =	stream.indirect.gather [hbm4b:s2+s28], $0x80, s28, s28, $0xb8;
	[tilespmem:$0x14280] =	vst v63  }
0xb2: {  	s29 =	sadd.s32 $0x2800, s29;
	s30 =	sadd.s32 $0xFFFFFFE0, s10;
	_ =	swait.ge [sflag:s14], $0x4000  }
0xb3: {  	s11 =	sand.u32 $0x70, s30;
	[sflag:s14] =	ssyncset.done $0x0;
	s30 =	rddreg [dreg:$0x5]  }
0xb4: {  	s7 =	sadd.s32 $0xFFFFE000, s29;
	[sflag:s14] =	ssyncadd.s32 $0xFFFFC000;
	s30 =	sadd.s32 s10, s30  }
0xb5: {  	[hbm4b:s7+s3] =	stream.linear.scatter [tilespmem:s15], [sflag:$0xF], $0x4000, $0x38;
	[tilespmem:$0x14280] =	vst v63  }
0xb6: {  	s14 =	sadd.s32 $0xFFFFFFD0, s30  }
0xb7: {  	s1 =	sadd.s32 s4, s1;
	s7 =	sand.u32 $0xFFFFF80, s14  }
0xb8: {  	s15 =	sadd.s32 $0xFFFFFFF0, s30;
	s1 =	sadd.s32 s7, s1  }
0xb9: {  	[tilespmem:s6], [sflag:$0x5] =	stream.linear.gather [hbm4b:s1+s3], $0x80, $0x38;
	[tilespmem:$0x14280] =	vst v63  }
0xba: {  	s31 =	sadd.s32 s4, s31;
	s14 =	sand.u32 $0xFFFFF80, s15;
	_ =	swait.ge [sflag:s22], $0x4000  }
0xbb: {  	s15 =	sadd.s32 $0xFFFFFFE0, s30;
	s31 =	sadd.s32 s14, s31;
	[sflag:s22] =	ssyncset.done $0x0  }
0xbc: {  	s14 =	sand.u32 $0xFFFFF80, s15;
	s15 =	simm.s32 $0x3;
	[sflag:s22] =	ssyncadd.s32 $0xFFFFC000  }
0xbd: {  	_ =	swait.ge [sflag:s15], $0x80  }
0xbe: {  	[sflag:s15] =	ssyncset.done $0x0  }
0xbf: {  	s7 =	simm.s32 $0x7;
	[sflag:s15] =	ssyncadd.s32 $0xFFFFFF80  }
0xc0: {  	[tilespmem:s12], [sflag:$0x8] =	stream.indirect.gather [hbm4b:s2+s28], $0x80, s17, s28, $0xb8;
	[tilespmem:$0x14280] =	vst v63  }
0xc1: {  	_ =	swait.ge [sflag:s7], $0x4000  }
0xc2: {  	[sflag:s7] =	ssyncset.done $0x0  }
0xc3: {  	s11 =	sadd.s32 s4, s11;
	s12 =	sadd.s32 $0xFFFFE800, s29;
	[sflag:s7] =	ssyncadd.s32 $0xFFFFC000  }
0xc4: {  	[hbm4b:s12+s3] =	stream.linear.scatter [tilespmem:s8], [sflag:$0xB], $0x4000, $0x38;
	[tilespmem:$0x14280] =	vst v63  }
0xc5: {  	s1 =	sadd.s32 s14, s11  }
0xc6: {  	[tilespmem:s3], [sflag:$0x1] =	stream.linear.gather [hbm4b:s1+s3], $0x80, $0x38;
	[tilespmem:$0x14280] =	vst v63  }
0xc7: {  	_ =	swait.ge [sflag:s23], $0x4000  }
0xc8: {  	[sflag:s23] =	ssyncset.done $0x0  }
0xc9: {  	s14 =	simm.s32 $0x4;
	[sflag:s23] =	ssyncadd.s32 $0xFFFFC000  }
0xca: {  	_ =	swait.ge [sflag:s14], $0x80  }
0xcb: {  	[sflag:s14] =	ssyncset.done $0x0  }
0xcc: {  	p0 =	sne.s32 s26, $0x31D0;
	[sflag:s14] =	ssyncadd.s32 $0xFFFFFF80  }
0xcd: {  	[tilespmem:s13], [sflag:$0x9] =	stream.indirect.gather [hbm4b:s2+s28], $0x80, s0, s28, $0xb8;
	[tilespmem:$0x14280] =	vst v63  }
.Ltmp0:
0xce: {  	s17 =	simm.s32 $0x8;
	(pc) =	sbr.rel @p0 .LBB2_2-.Ltmp0, $4  }
0xcf: {  	_ =	swait.ge [sflag:s17], $0x4000  }
0xd0: {  	s26 =	sadd.s32 $0x50, s26;
	[sflag:s17] =	ssyncset.done $0x0  }
0xd1: {  	s25 =	smov.u32 s29;
	s15 =	sadd.s32 $0xFFFFF000, s29;
	[sflag:s17] =	ssyncadd.s32 $0xFFFFC000  }
0xd2: {  	[hbm4b:s15+s3] =	stream.linear.scatter [tilespmem:s9], [sflag:$0xC], $0x4000, $0x38;
	[tilespmem:$0x14280] =	vst v63  }
0xd3: {  	[tilespmem:s28], [sflag:$0x2] =	stream.linear.gather [hbm4b:s31+s3], $0x80, $0x38;
	[tilespmem:$0x14280] =	vst v63  }
0xd4: {  	_ =	swait.ge [sflag:s24], $0x4000  }
0xd5: {  	[sflag:s24] =	ssyncset.done $0x0  }
0xd6: {  	[sflag:s24] =	ssyncadd.s32 $0xFFFFC000  }
0xd7: {  	_ =	swait.ge [sflag:s16], $0x80  }
0xd8: {  	[sflag:s16] =	ssyncset.done $0x0  }
0xd9: {  	s6 =	simm.s32 $0x200;
	s11 =	simm.s32 $0x10280;
	[sflag:s16] =	ssyncadd.s32 $0xFFFFFF80  }
0xda: {  	[tilespmem:s11], [sflag:$0xA] =	stream.indirect.gather [hbm4b:s2+s28], $0x80, s6, s28, $0xb8;
	[tilespmem:$0x14280] =	vst v63  }
0xdb: {  	_ =	swait.ge [sflag:s18], $0x4000  }
0xdc: {  	s1 =	sadd.s32 $0xFFFFF800, s25;
	[sflag:s18] =	ssyncset.done $0x0  }
0xdd: {  	s9 =	simm.s32 $0x8280;
	s10 =	sand.u32 $0x70, s10;
	[sflag:s18] =	ssyncadd.s32 $0xFFFFC000  }
0xde: {  	[hbm4b:s1+s3] =	stream.linear.scatter [tilespmem:s9], [sflag:$0xD], $0x4000, $0x38;
	[tilespmem:$0x14280] =	vst v63  }
0xdf: {  	s7 =	sand.u32 $0xFFFFF80, s30;
	s1 =	sadd.s32 s4, s10  }
0xe0: {  	s12 =	simm.s32 $0x100;
	s1 =	sadd.s32 s7, s1  }
0xe1: {  	[tilespmem:s12], [sflag:$0x3] =	stream.linear.gather [hbm4b:s1+s3], $0x80, $0x38;
	[tilespmem:$0x14280] =	vst v63  }
0xe2: {  	_ =	swait.ge [sflag:s19], $0x4000  }
0xe3: {  	[sflag:s19] =	ssyncset.done $0x0  }
0xe4: {  	s0 =	simm.s32 $0x1;
	[sflag:s19] =	ssyncadd.s32 $0xFFFFC000  }
0xe5: {  	_ =	swait.ge [sflag:s0], $0x80  }
0xe6: {  	[sflag:s0] =	ssyncset.done $0x0  }
0xe7: {  	s8 =	simm.s32 $0x280;
	[sflag:s0] =	ssyncadd.s32 $0xFFFFFF80  }
0xe8: {  	[tilespmem:s8], [sflag:$0x6] =	stream.indirect.gather [hbm4b:s2+s28], $0x80, s3, s28, $0xb8;
	[tilespmem:$0x14280] =	vst v63  }
0xe9: {  	_ =	swait.ge [sflag:s20], $0x4000  }
0xea: {  	s14 =	sadd.s32 $0x280, s5;
	s13 =	rddreg [dreg:$0x4]  }
0xeb: {  	s10 =	simm.s32 $0xC280;
	[sflag:s20] =	ssyncset.done $0x0;
	s1 =	sadd.s32 s5, s13  }
0xec: {  	s5 =	sand.u32 $0x380, s14;
	[sflag:s20] =	ssyncadd.s32 $0xFFFFC000;
	s1 =	sand.u32 $0x7FFFFC00, s1  }
0xed: {  	[hbm4b:s25+s3] =	stream.linear.scatter [tilespmem:s10], [sflag:$0xE], $0x4000, $0x38;
	[tilespmem:$0x14280] =	vst v63  }
0xee: {  	s1 =	sor.u32 s5, s1  }
0xef: {  	s1 =	sshrl.u32 s1, $0x3  }
0xf0: {  	s15 =	simm.s32 $0x180;
	s1 =	sadd.s32 s4, s1  }
0xf1: {  	[tilespmem:s15], [sflag:$0x4] =	stream.linear.gather [hbm4b:s1+s3], $0x80, $0x38;
	[tilespmem:$0x14280] =	vst v63  }
0xf2: {  	_ =	swait.ge [sflag:s21], $0x4000  }
0xf3: {  	[sflag:s21] =	ssyncset.done $0x0  }
0xf4: {  	s17 =	simm.s32 $0x2;
	[sflag:s21] =	ssyncadd.s32 $0xFFFFC000  }
0xf5: {  	_ =	swait.ge [sflag:s17], $0x80  }
0xf6: {  	[sflag:s17] =	ssyncset.done $0x0  }
0xf7: {  	s26 =	simm.s32 $0x6;
	s25 =	simm.s32 $0x4280;
	[sflag:s17] =	ssyncadd.s32 $0xFFFFFF80  }
0xf8: {  	[tilespmem:s25], [sflag:$0x7] =	stream.indirect.gather [hbm4b:s2+s28], $0x80, s28, s28, $0xb8;
	[tilespmem:$0x14280] =	vst v63  }
0xf9: {  	_ =	swait.ge [sflag:s26], $0x4000  }
0xfa: {  	[sflag:s26] =	ssyncset.done $0x0  }
0xfb: {  	s29 =	rddreg [dreg:$0x12];
	[sflag:s26] =	ssyncadd.s32 $0xFFFFC000  }
0xfc: {  	[hbm4b:s29+s3] =	stream.linear.scatter [tilespmem:s11], [sflag:$0xF], $0x4000, $0x38;
	[tilespmem:$0x14280] =	vst v63  }
0xfd: {  	s30 =	rddreg [dreg:$0x13]  }
0xfe: {  	[tilespmem:s6], [sflag:$0x5] =	stream.linear.gather [hbm4b:s30+s3], $0x80, $0x38;
	[tilespmem:$0x14280] =	vst v63  }
0xff: {  	_ =	swait.ge [sflag:s22], $0x4000  }
0x100: {  	[sflag:s22] =	ssyncset.done $0x0  }
0x101: {  	s31 =	simm.s32 $0x3;
	[sflag:s22] =	ssyncadd.s32 $0xFFFFC000  }
0x102: {  	_ =	swait.ge [sflag:s31], $0x80  }
0x103: {  	[sflag:s31] =	ssyncset.done $0x0  }
0x104: {  	[sflag:s31] =	ssyncadd.s32 $0xFFFFFF80  }
0x105: {  	[tilespmem:s9], [sflag:$0x8] =	stream.indirect.gather [hbm4b:s2+s28], $0x80, s12, s28, $0xb8;
	[tilespmem:$0x14280] =	vst v63  }
0x106: {  	s12 =	simm.s32 $0x7  }
0x107: {  	_ =	swait.ge [sflag:s12], $0x4000  }
0x108: {  	[sflag:s12] =	ssyncset.done $0x0  }
0x109: {  	s13 =	rddreg [dreg:$0x14];
	[sflag:s12] =	ssyncadd.s32 $0xFFFFC000  }
0x10a: {  	[hbm4b:s13+s3] =	stream.linear.scatter [tilespmem:s8], [sflag:$0xB], $0x4000, $0x38;
	[tilespmem:$0x14280] =	vst v63  }
0x10b: {  	_ =	swait.ge [sflag:s23], $0x4000  }
0x10c: {  	[sflag:s23] =	ssyncset.done $0x0  }
0x10d: {  	s14 =	simm.s32 $0x4;
	[sflag:s23] =	ssyncadd.s32 $0xFFFFC000  }
0x10e: {  	_ =	swait.ge [sflag:s14], $0x80  }
0x10f: {  	[sflag:s14] =	ssyncset.done $0x0  }
0x110: {  	[sflag:s14] =	ssyncadd.s32 $0xFFFFFF80  }
0x111: {  	[tilespmem:s10], [sflag:$0x9] =	stream.indirect.gather [hbm4b:s2+s28], $0x80, s15, s28, $0xb8;
	[tilespmem:$0x14280] =	vst v63  }
0x112: {  	s15 =	simm.s32 $0x8  }
0x113: {  	_ =	swait.ge [sflag:s15], $0x4000  }
0x114: {  	[sflag:s15] =	ssyncset.done $0x0  }
0x115: {  	s17 =	rddreg [dreg:$0x16];
	[sflag:s15] =	ssyncadd.s32 $0xFFFFC000  }
0x116: {  	[hbm4b:s17+s3] =	stream.linear.scatter [tilespmem:s25], [sflag:$0xC], $0x4000, $0x38;
	[tilespmem:$0x14280] =	vst v63  }
0x117: {  	_ =	swait.ge [sflag:s24], $0x4000  }
0x118: {  	[sflag:s24] =	ssyncset.done $0x0  }
0x119: {  	[sflag:s24] =	ssyncadd.s32 $0xFFFFC000  }
0x11a: {  	_ =	swait.ge [sflag:s16], $0x80  }
0x11b: {  	[sflag:s16] =	ssyncset.done $0x0  }
0x11c: {  	[sflag:s16] =	ssyncadd.s32 $0xFFFFFF80  }
0x11d: {  	[tilespmem:s11], [sflag:$0xA] =	stream.indirect.gather [hbm4b:s2+s28], $0x80, s6, s28, $0xb8;
	[tilespmem:$0x14280] =	vst v63  }
0x11e: {  	_ =	swait.ge [sflag:s18], $0x4000  }
0x11f: {  	[sflag:s18] =	ssyncset.done $0x0  }
0x120: {  	s25 =	rddreg [dreg:$0x17];
	[sflag:s18] =	ssyncadd.s32 $0xFFFFC000  }
0x121: {  	[hbm4b:s25+s3] =	stream.linear.scatter [tilespmem:s9], [sflag:$0xD], $0x4000, $0x38;
	[tilespmem:$0x14280] =	vst v63  }
0x122: {  	_ =	swait.ge [sflag:s19], $0x4000  }
0x123: {  	[sflag:s19] =	ssyncset.done $0x0  }
0x124: {  	[sflag:s19] =	ssyncadd.s32 $0xFFFFC000  }
0x125: {  	_ =	swait.ge [sflag:s20], $0x4000  }
0x126: {  	[sflag:s20] =	ssyncset.done $0x0  }
0x127: {  	s26 =	rddreg [dreg:$0x18];
	[sflag:s20] =	ssyncadd.s32 $0xFFFFC000  }
0x128: {  	[hbm4b:s26+s3] =	stream.linear.scatter [tilespmem:s10], [sflag:$0xE], $0x4000, $0x38;
	[tilespmem:$0x14280] =	vst v63  }
0x129: {  	_ =	swait.ge [sflag:s21], $0x4000  }
0x12a: {  	[sflag:s21] =	ssyncset.done $0x0  }
0x12b: {  	s29 =	rddreg [dreg:$0x15];
	[sflag:s21] =	ssyncadd.s32 $0xFFFFC000  }
0x12c: {  	[hbm4b:s29+s3] =	stream.linear.scatter [tilespmem:s11], [sflag:$0xF], $0x4000, $0x38;
	[tilespmem:$0x14280] =	vst v63  }
0x12d: {  	_ =	swait.ge [sflag:s22], $0x4000  }
0x12e: {  	[sflag:s22] =	ssyncset.done $0x0  }
0x12f: {  	[sflag:s22] =	ssyncadd.s32 $0xFFFFC000  }
0x130: {  	_ =	swait.ge [sflag:s23], $0x4000  }
0x131: {  	[sflag:s23] =	ssyncset.done $0x0  }
0x132: {  	[sflag:s23] =	ssyncadd.s32 $0xFFFFC000  }
0x133: {  	_ =	swait.ge [sflag:s24], $0x4000  }
0x134: {  	s30 =	rddreg [dreg:$0x1c]  }
0x135: {  	s31 =	rddreg [dreg:$0x19];
	s0 =	sadd.s32 $0x1, s30  }
0x136: {  	p0 =	sne.s32 s0, s31  }
.Ltmp1:
0x137: {  	_ = 	snop;
	(pc) =	sbr.rel @p0 .LBB2_1-.Ltmp1, $3  }
0x138: {  	_ =	sdelay $0x1  }
0x139: {  	[sflag:s24] =	ssyncset.done $0x0  }
0x13a: {  	[sflag:s24] =	ssyncadd.s32 $0xFFFFC000  }
0x13b: {  	_ =	sfence.sel $0x180000  }
0x13c: {  	[bflag:$0x0] =	sbarrier.arrive $0xFFFF  }
0x13d: {  	_ =	strace $0x90000047  }
0x13e: {  	s0 =	stileid.u32;
	[bflag:$0x2] =	sbarrier.arrive $0xFFFF  }
0x13f: {  	p0 =	sne.s32 s0, $0x0;
	s0 =	rddreg [dreg:$0x3]  }
0x140: {  	s0 =	sadd.s32 @!p0 $0x100000, s0  }
0x141: {  	[sflag:s0] =	ssyncadd.tile.s32 @!p0 $0x1;
	_ =	shalt  }
.Lfunc_end2:
_tile_overlayer_lowered:
.L_overlay_start_2:
0x142: {  	(tag) =	ssettag $0x2  }
0x143: {  	s0 =	rddreg [dreg:$0x0];
	s2 =	stileid.u32  }
0x144: {  	s1 =	rddreg [dreg:$0x1];
	p0 =	sne.s32 s2, $0x0  }
0x145: {  	s3 =	rddreg [dreg:$0x2];
	[bflag:$0x3] =	sbarrier.arrive $0xFFFF;
	s2 =	simm.s32 @!p0 $0x1C10  }
0x146: {  	[timem:s3], [sflag:s2] =	dma.local @!p0 [hbm:s0], s1  }
0x147: {  	s0 =	simm.s32 @!p0 $0x10  }
0x148: {  	_ =	swait.ge @!p0 [sflag:s0], s1  }
0x149: {  	s1 =	ssub.s32 @!p0 $0x0, s1;
	[sflag:s0] =	ssyncset.done @!p0 $0x0  }
0x14a: {  	[sflag:s0] =	ssyncadd.s32 @!p0 s1  }
0x14b: {  	[bflag:$0x3] =	sbarrier.arrive $0xFFFF  }
0x14c: {  	_ =	shalt  }

</sc_bundles>
